<compile_context>
chip_gen: v7x
topology: tpu7x:2x2x1
jax: 0.10.2.dev20260603
libtpu: 0.0.44.dev20260713+nightly
codegen_flags: <defaults>
</compile_context>

<pallas_src>
import functools

import jax
import jax.numpy as jnp
from jax import lax
from jax.experimental import pallas as pl
from jax.experimental.pallas import tpu as pltpu
from jax.experimental.pallas import tpu_sc as plsc

FEAT = 256
B = 64
A = 2048
R = 2048
RB = 128
H2 = 512
L = 16
NW = 32
BPW = B // NW
NCAND = 64

_HI = jax.lax.Precision.HIGHEST



def _score_body(state_ref, w1s_ref, w1r_ref, b1_ref, w2t_ref, b2_ref,
                w3_ref, a1_ref, a2_ref, rf_ref, out_ref):
    x = rf_ref[...].reshape(RB * B, FEAT).astype(jnp.bfloat16)
    pre = jnp.dot(state_ref[...], w1s_ref[...], precision=_HI) + b1_ref[...]
    h = jnp.dot(x, w1r_ref[...],
                preferred_element_type=jnp.float32).reshape(RB, B, FEAT)
    h = h + pre[None, :, :]
    h = jnp.where(h >= 0, h, a1_ref[...] * h)
    h2 = jnp.dot(h.reshape(RB * B, FEAT).astype(jnp.bfloat16), w2t_ref[...],
                 preferred_element_type=jnp.float32)
    h2 = h2 + b2_ref[...]
    h2 = jnp.where(h2 >= 0, h2, a2_ref[...] * h2)
    t = h2.reshape(RB, B, H2) * w3_ref[...]
    s = jnp.sum(t, axis=2)
    out_ref[...] = s.T


def _scores_tc(result_features, state2d, w1s, w1rb, b1r, w2tb, b2r, w3r,
               a1b, a2b):
    return pl.pallas_call(
        _score_body,
        grid=(R // RB,),
        in_specs=[
            pl.BlockSpec((B, FEAT), lambda i: (0, 0)),
            pl.BlockSpec((FEAT, FEAT), lambda i: (0, 0)),
            pl.BlockSpec((FEAT, FEAT), lambda i: (0, 0)),
            pl.BlockSpec((1, FEAT), lambda i: (0, 0)),
            pl.BlockSpec((FEAT, H2), lambda i: (0, 0)),
            pl.BlockSpec((1, H2), lambda i: (0, 0)),
            pl.BlockSpec((1, 1, H2), lambda i: (0, 0, 0)),
            pl.BlockSpec((1, 1, FEAT), lambda i: (0, 0, 0)),
            pl.BlockSpec((1, H2), lambda i: (0, 0)),
            pl.BlockSpec((RB, B, FEAT), lambda i: (i, 0, 0)),
        ],
        out_specs=pl.BlockSpec((B, RB), lambda i: (0, i)),
        out_shape=jax.ShapeDtypeStruct((B, R), jnp.float32),
    )(state2d, w1s, w1rb, b1r, w2tb, b2r, w3r, a1b, a2b, result_features)



def _sc_body(scores_hbm, actions_hbm, rf2d_hbm,
             mv_hbm, tv_hbm, cand0_hbm, cand1_hbm, cand2_hbm, cand3_hbm,
             candfeat_hbm,
             srow, arow, grow, candv, cidx, rows_v, mval, tval, cstg, sem):
    cand_hbms = (cand0_hbm, cand1_hbm, cand2_hbm, cand3_hbm)
    cid = lax.axis_index("c")
    sid = lax.axis_index("s")
    wid = sid * 2 + cid
    for j in range(BPW):
        b = wid * BPW + j
        pltpu.sync_copy(scores_hbm.at[b], srow)
        pltpu.sync_copy(actions_hbm.at[b], arow)

        def p1(i, carry):
            m, gm = carry
            idx = arow[pl.ds(i * L, L)]
            g = plsc.load_gather(srow, [idx])
            grow[pl.ds(i * L, L)] = g
            return (jnp.maximum(m, g), jnp.minimum(gm, g))

        m, gm = lax.fori_loop(
            0, A // L, p1,
            (jnp.full((L,), -jnp.inf, jnp.float32),
             jnp.full((L,), jnp.inf, jnp.float32)))
        mx = jnp.max(m)
        gmin = jnp.min(gm)
        thr = mx - 0.025 * (mx - gmin)

        for q in range(NCAND // L):
            candv[pl.ds(q * L, L)] = arow[pl.ds(q * L, L)]

        def p2(i, carry):
            acc, off = carry
            g = grow[pl.ds(i * L, L)]
            av = arow[pl.ds(i * L, L)]
            acc = acc + jnp.exp(g - mx)
            hit = g >= thr
            cnt = hit.astype(jnp.int32)
            pos = off + jnp.cumsum(cnt) - 1
            plsc.store_scatter(candv, [pos], av, mask=hit)
            return (acc, off + jnp.sum(cnt))

        acc, _ = lax.fori_loop(
            0, A // L, p2, (jnp.zeros((L,), jnp.float32), jnp.int32(0)))
        total = jnp.sum(acc)
        mval[...] = jnp.zeros((L,), jnp.float32) + mx
        tval[...] = jnp.zeros((L,), jnp.float32) + total
        pltpu.sync_copy(mval, mv_hbm.at[b])
        pltpu.sync_copy(tval, tv_hbm.at[b])

        for q in range(NCAND // L):
            cidx[pl.ds(q * L, L)] = candv[pl.ds(q * L, L)] * B + b
        pltpu.async_copy(rf2d_hbm.at[cidx], rows_v, sem).wait()
        pltpu.sync_copy(rows_v, candfeat_hbm.at[pl.ds(b * NCAND, NCAND)])
        for q in range(NCAND // L):
            cstg[...] = candv[pl.ds(q * L, L)]
            pltpu.sync_copy(cstg, cand_hbms[q].at[b])


@functools.lru_cache(maxsize=1)
def _sc_stage():
    return pl.kernel(
        _sc_body,
        out_type=[
            jax.ShapeDtypeStruct((B, L), jnp.float32),
            jax.ShapeDtypeStruct((B, L), jnp.float32),
            jax.ShapeDtypeStruct((B, L), jnp.int32),
            jax.ShapeDtypeStruct((B, L), jnp.int32),
            jax.ShapeDtypeStruct((B, L), jnp.int32),
            jax.ShapeDtypeStruct((B, L), jnp.int32),
            jax.ShapeDtypeStruct((B * NCAND, FEAT), jnp.float32),
        ],
        mesh=plsc.VectorSubcoreMesh(core_axis_name="c", subcore_axis_name="s"),
        compiler_params=pltpu.CompilerParams(needs_layout_passes=False),
        scratch_types=[
            pltpu.VMEM((R,), jnp.float32),
            pltpu.VMEM((A,), jnp.int32),
            pltpu.VMEM((A,), jnp.float32),
            pltpu.VMEM((A + L,), jnp.int32),
            pltpu.VMEM((NCAND,), jnp.int32),
            pltpu.VMEM((NCAND, FEAT), jnp.float32),
            pltpu.VMEM((L,), jnp.float32),
            pltpu.VMEM((L,), jnp.float32),
            pltpu.VMEM((L,), jnp.int32),
            pltpu.SemaphoreType.DMA,
        ],
    )



def _rescue_body(candfeat_ref, ids_ref, mv_ref, tv_ref, state_ref,
                 w1s_ref, w1r_ref, b1_ref, w2t_ref, b2_ref, w3_ref,
                 a1_ref, a2_ref, actions_ref, ns_ref,
                 res_ref, sco_ref, na_ref):
    x = candfeat_ref[...]
    pre = jnp.dot(state_ref[...], w1s_ref[...], precision=_HI) + b1_ref[...]
    h = jnp.dot(x, w1r_ref[...], precision=_HI).reshape(B, NCAND, FEAT)
    h = h + pre[:, None, :]
    h = jnp.where(h >= 0, h, a1_ref[...] * h)
    h2 = jnp.dot(h.reshape(B * NCAND, FEAT), w2t_ref[...], precision=_HI)
    h2 = h2 + b2_ref[...]
    h2 = jnp.where(h2 >= 0, h2, a2_ref[...] * h2)
    s = jnp.sum(h2.reshape(B, NCAND, H2) * w3_ref[...], axis=2)
    smax = jnp.max(s, axis=1, keepdims=True)
    big = jnp.full((B, NCAND), jnp.int32(2147483647), jnp.int32)
    rstar = jnp.min(jnp.where(s >= smax, ids_ref[...], big),
                    axis=1, keepdims=True)
    res_ref[...] = rstar
    sco_ref[...] = jnp.exp(smax - mv_ref[:, :1]) / tv_ref[:, :1]
    col = lax.broadcasted_iota(jnp.int32, (B, A), 1)
    na_ref[...] = jnp.where(col == rstar, ns_ref[...], actions_ref[...])


def _rescue_tc(candfeat, ids, mv, tv, state2d, w1s, w1r, b1r, w2t, b2r,
               w3r, a1b, a2b, actions, ns):
    return pl.pallas_call(
        _rescue_body,
        out_shape=[
            jax.ShapeDtypeStruct((B, 1), jnp.int32),
            jax.ShapeDtypeStruct((B, 1), jnp.float32),
            jax.ShapeDtypeStruct((B, A), jnp.int32),
        ],
    )(candfeat, ids, mv, tv, state2d, w1s, w1r, b1r, w2t, b2r,
      w3r, a1b, a2b, actions, ns)


def kernel(result_features, state, actions, W1, b1, a1, W2, b2, a2, W3, b3, step):
    del b3
    state2d = state[0]
    w1s = W1[:, :FEAT].T
    w1r = W1[:, FEAT:].T
    b1r = b1.reshape(1, FEAT)
    w2t = W2.T
    b2r = b2.reshape(1, H2)
    w3r = W3.reshape(1, 1, H2)
    a1b = jnp.broadcast_to(a1.reshape(1, 1, 1), (1, 1, FEAT))
    a2b = jnp.broadcast_to(a2.reshape(1, 1), (1, H2))
    scoresT = _scores_tc(result_features, state2d, w1s,
                         w1r.astype(jnp.bfloat16), b1r,
                         w2t.astype(jnp.bfloat16), b2r, w3r, a1b, a2b)
    rf2d = result_features.reshape(R * B, FEAT)
    mv, tv, c0, c1, c2, c3, candfeat = _sc_stage()(scoresT, actions, rf2d)
    cand = jnp.concatenate([c0, c1, c2, c3], axis=1)
    ns = jnp.full((1, 1), -step, jnp.int32)
    res, sco, new_actions = _rescue_tc(
        candfeat, cand, mv, tv, state2d, w1s, w1r, b1r, w2t, b2r,
        w3r, a1b, a2b, actions, ns)
    return (res, sco, new_actions)

# --- scband reference (transcript-rebuilt; emitter-appended) ---
"""Pipeline reference for scband-policy-network-39359080301157 (READ-ONLY COPY).

The authoritative reference and input builder live on the scoring server;
editing this copy changes nothing except your own understanding.
"""

import jax, jax.numpy as jnp
import numpy as np

FEAT = 256
B = 64
A = 2048
R = 2048


def _prelu(x, a):
    return jnp.where(x >= 0, x, a * x)


def setup_inputs(seed: int = 0) -> dict:
    key = jax.random.key(seed)
    ks = jax.random.split(key, 12)
    result_features = jax.random.normal(ks[0], (R, B, FEAT), dtype=jnp.float32)
    state = jax.random.normal(ks[1], (1, B, FEAT), dtype=jnp.float32)
    actions = jax.random.randint(ks[2], (B, A), 0, R, dtype=jnp.int32)
    # dense = Linear(2F, F) -> PReLU -> Linear(F, 512) -> PReLU -> Linear(512, 1)
    W1 = jax.random.normal(ks[3], (FEAT, 2 * FEAT), dtype=jnp.float32) / np.sqrt(2 * FEAT)
    b1 = jnp.zeros((FEAT,), dtype=jnp.float32)
    a1 = jnp.full((1,), 0.25, dtype=jnp.float32)
    W2 = jax.random.normal(ks[4], (512, FEAT), dtype=jnp.float32) / np.sqrt(FEAT)
    b2 = jnp.zeros((512,), dtype=jnp.float32)
    a2 = jnp.full((1,), 0.25, dtype=jnp.float32)
    W3 = jax.random.normal(ks[5], (1, 512), dtype=jnp.float32) / np.sqrt(512)
    b3 = jnp.zeros((1,), dtype=jnp.float32)
    return {
        "result_features": result_features,
        "state": state,
        "actions": actions,
        "W1": W1, "b1": b1, "a1": a1,
        "W2": W2, "b2": b2, "a2": a2,
        "W3": W3, "b3": b3,
        "step": 1,
    }


def reference(result_features, state, actions, W1, b1, a1, W2, b2, a2, W3, b3, step):
    # mask = actions >= 0; all generated actions are non-negative, so
    # masked_select(...).reshape(B, -1) is the identity here (faithful to the
    # torch path for this input distribution).
    actions_not_choosed = actions  # [B, A]
    idx = jnp.transpose(actions_not_choosed)  # [A, B]
    idx_exp = jnp.broadcast_to(idx[:, :, None], (A, B, FEAT))
    # torch.gather(result_features, 0, idx_exp):
    choosed_results = jnp.take_along_axis(result_features, idx_exp, axis=0)  # [A, B, F]
    state_expand = jnp.broadcast_to(state, (A, B, FEAT))
    feature_fusion = jnp.concatenate([state_expand, choosed_results], axis=2)  # [A, B, 2F]
    h = feature_fusion @ W1.T + b1
    h = _prelu(h, a1)
    h = h @ W2.T + b2
    h = _prelu(h, a2)
    h = h @ W3.T + b3  # [A, B, 1]
    action_scores = jnp.transpose(jnp.squeeze(h, -1))  # [B, A]
    action_scores = jax.nn.softmax(action_scores, axis=1)
    # mode == 'max' (deterministic): sample = argmax
    sample = jnp.argmax(action_scores, axis=1)[:, None]  # [B, 1]
    choosed_result = jnp.take_along_axis(actions_not_choosed, sample, axis=1)  # [B, 1]
    choosed_score = jnp.take_along_axis(action_scores, sample, axis=1)  # [B, 1]
    new_actions = actions.at[jnp.arange(B), choosed_result[:, 0]].set(-step)
    return (choosed_result, choosed_score, new_actions)

if __name__ == "__main__":
    import jax
    _d = setup_inputs()
    print(jax.jit(kernel)(*tuple(_d.values())))

</pallas_src>

<mosaic_0001>
#map = affine_map<(d0, d1) -> (0, 0)>
module attributes {stable_mosaic.version = 14 : i64} {
  func.func @_sc_body(%arg0: i32, %arg1: i32, %arg2: memref<64x2048xf32, #tpu.memory_space<hbm>>, %arg3: memref<64x2048xi32, #tpu.memory_space<hbm>>, %arg4: memref<131072x256xf32, #tpu.memory_space<hbm>>, %arg5: memref<64x16xf32, #tpu.memory_space<hbm>>, %arg6: memref<64x16xf32, #tpu.memory_space<hbm>>, %arg7: memref<64x16xi32, #tpu.memory_space<hbm>>, %arg8: memref<64x16xi32, #tpu.memory_space<hbm>>, %arg9: memref<64x16xi32, #tpu.memory_space<hbm>>, %arg10: memref<64x16xi32, #tpu.memory_space<hbm>>, %arg11: memref<4096x256xf32, #tpu.memory_space<hbm>>, %arg12: memref<2048xf32, #tpu.memory_space<vmem>>, %arg13: memref<2048xi32, #tpu.memory_space<vmem>>, %arg14: memref<2048xf32, #tpu.memory_space<vmem>>, %arg15: memref<2064xi32, #tpu.memory_space<vmem>>, %arg16: memref<64xi32, #tpu.memory_space<vmem>>, %arg17: memref<64x256xf32, #tpu.memory_space<vmem>>, %arg18: memref<16xf32, #tpu.memory_space<vmem>>, %arg19: memref<16xf32, #tpu.memory_space<vmem>>, %arg20: memref<16xi32, #tpu.memory_space<vmem>>, %arg21: memref<!tpu.dma_semaphore, #tpu.memory_space<semaphore_mem>>) attributes {dimension_semantics = [#tpu.dimension_semantics<core_parallel>, #tpu.dimension_semantics<subcore_parallel>], iteration_bounds = array<i64: 2, 16>, scalar_prefetch = 0 : i64, scratch_operands = 10 : i64, tpu.core_type = #tpu.core_type<sc_vector_subcore>, window_params = [{transform_indices = #map}, {transform_indices = #map}, {transform_indices = #map}, {transform_indices = #map}, {transform_indices = #map}, {transform_indices = #map}, {transform_indices = #map}, {transform_indices = #map}, {transform_indices = #map}, {transform_indices = #map}]} {
    %mul3A = arith.constant 2 : i32
    %mul3A_0 = arith.muli %arg1, %mul3A : i32
    %add3A = arith.addi %mul3A_0, %arg0 : i32
    %mul3A_1 = arith.constant 2 : i32
    %mul3A_2 = arith.muli %add3A, %mul3A_1 : i32
    %add3A_3 = arith.constant 0 : i32
    %add3A_4 = arith.addi %mul3A_2, %add3A_3 : i32
    "tpu.region"() ({
      %run_scoped3A = tpu.sem_alloc : memref<!tpu.dma_semaphore, #tpu.memory_space<semaphore_mem>>
      %dma_start3A_245 = arith.constant 0 : i32
      %dma_start3A_246 = tpu.memref_slice %arg2[%add3A_4, %dma_start3A_245] : memref<64x2048xf32, #tpu.memory_space<hbm>> -> memref<1x2048xf32, #tpu.memory_space<hbm>>
      %dma_start3A_247 = tpu.memref_squeeze %dma_start3A_246 : memref<1x2048xf32, #tpu.memory_space<hbm>> -> memref<2048xf32, #tpu.memory_space<hbm>>
      %dma_start3A_248 = arith.constant 0 : i32
      %dma_start3A_249 = tpu.memref_slice %arg2[%add3A_4, %dma_start3A_248] : memref<64x2048xf32, #tpu.memory_space<hbm>> -> memref<1x2048xf32, #tpu.memory_space<hbm>>
      %dma_start3A_250 = tpu.memref_squeeze %dma_start3A_249 : memref<1x2048xf32, #tpu.memory_space<hbm>> -> memref<2048xf32, #tpu.memory_space<hbm>>
      tpu.enqueue_dma source(%dma_start3A_250 : memref<2048xf32, #tpu.memory_space<hbm>>) target(%arg12 : memref<2048xf32, #tpu.memory_space<vmem>>) target_semaphore(%run_scoped3A : memref<!tpu.dma_semaphore, #tpu.memory_space<semaphore_mem>>)
      %dma_wait3A_251 = arith.constant 0 : i32
      %dma_wait3A_252 = tpu.memref_slice %arg2[%add3A_4, %dma_wait3A_251] : memref<64x2048xf32, #tpu.memory_space<hbm>> -> memref<1x2048xf32, #tpu.memory_space<hbm>>
      %dma_wait3A_253 = tpu.memref_squeeze %dma_wait3A_252 : memref<1x2048xf32, #tpu.memory_space<hbm>> -> memref<2048xf32, #tpu.memory_space<hbm>>
      %dma_wait3A_254 = arith.constant 0 : i32
      %dma_wait3A_255 = tpu.memref_slice %arg2[%add3A_4, %dma_wait3A_254] : memref<64x2048xf32, #tpu.memory_space<hbm>> -> memref<1x2048xf32, #tpu.memory_space<hbm>>
      %dma_wait3A_256 = tpu.memref_squeeze %dma_wait3A_255 : memref<1x2048xf32, #tpu.memory_space<hbm>> -> memref<2048xf32, #tpu.memory_space<hbm>>
      tpu.wait_dma2 semaphore(%run_scoped3A : memref<!tpu.dma_semaphore, #tpu.memory_space<semaphore_mem>>) src(%dma_wait3A_256 : memref<2048xf32, #tpu.memory_space<hbm>>) dst(%arg12 : memref<2048xf32, #tpu.memory_space<vmem>>)
      tpu.yield
    }) : () -> ()
    "tpu.region"() ({
      %run_scoped3A = tpu.sem_alloc : memref<!tpu.dma_semaphore, #tpu.memory_space<semaphore_mem>>
      %dma_start3A_245 = arith.constant 0 : i32
      %dma_start3A_246 = tpu.memref_slice %arg3[%add3A_4, %dma_start3A_245] : memref<64x2048xi32, #tpu.memory_space<hbm>> -> memref<1x2048xi32, #tpu.memory_space<hbm>>
      %dma_start3A_247 = tpu.memref_squeeze %dma_start3A_246 : memref<1x2048xi32, #tpu.memory_space<hbm>> -> memref<2048xi32, #tpu.memory_space<hbm>>
      %dma_start3A_248 = arith.constant 0 : i32
      %dma_start3A_249 = tpu.memref_slice %arg3[%add3A_4, %dma_start3A_248] : memref<64x2048xi32, #tpu.memory_space<hbm>> -> memref<1x2048xi32, #tpu.memory_space<hbm>>
      %dma_start3A_250 = tpu.memref_squeeze %dma_start3A_249 : memref<1x2048xi32, #tpu.memory_space<hbm>> -> memref<2048xi32, #tpu.memory_space<hbm>>
      tpu.enqueue_dma source(%dma_start3A_250 : memref<2048xi32, #tpu.memory_space<hbm>>) target(%arg13 : memref<2048xi32, #tpu.memory_space<vmem>>) target_semaphore(%run_scoped3A : memref<!tpu.dma_semaphore, #tpu.memory_space<semaphore_mem>>)
      %dma_wait3A_251 = arith.constant 0 : i32
      %dma_wait3A_252 = tpu.memref_slice %arg3[%add3A_4, %dma_wait3A_251] : memref<64x2048xi32, #tpu.memory_space<hbm>> -> memref<1x2048xi32, #tpu.memory_space<hbm>>
      %dma_wait3A_253 = tpu.memref_squeeze %dma_wait3A_252 : memref<1x2048xi32, #tpu.memory_space<hbm>> -> memref<2048xi32, #tpu.memory_space<hbm>>
      %dma_wait3A_254 = arith.constant 0 : i32
      %dma_wait3A_255 = tpu.memref_slice %arg3[%add3A_4, %dma_wait3A_254] : memref<64x2048xi32, #tpu.memory_space<hbm>> -> memref<1x2048xi32, #tpu.memory_space<hbm>>
      %dma_wait3A_256 = tpu.memref_squeeze %dma_wait3A_255 : memref<1x2048xi32, #tpu.memory_space<hbm>> -> memref<2048xi32, #tpu.memory_space<hbm>>
      tpu.wait_dma2 semaphore(%run_scoped3A : memref<!tpu.dma_semaphore, #tpu.memory_space<semaphore_mem>>) src(%dma_wait3A_256 : memref<2048xi32, #tpu.memory_space<hbm>>) dst(%arg13 : memref<2048xi32, #tpu.memory_space<vmem>>)
      tpu.yield
    }) : () -> ()
    %broadcast_in_dim3A = arith.constant 0xFF800000 : f32
    %broadcast_in_dim3A_5 = vector.broadcast %broadcast_in_dim3A : f32 to vector<16xf32>
    %broadcast_in_dim3A_6 = arith.constant 0x7F800000 : f32
    %broadcast_in_dim3A_7 = vector.broadcast %broadcast_in_dim3A_6 : f32 to vector<16xf32>
    %scan3A = arith.constant 0 : i32
    %scan3A_8 = arith.constant 128 : i32
    %scan3A_9 = arith.addi %scan3A, %scan3A_8 : i32
    %scan3A_10 = arith.constant 1 : i32
    %scan3A_11:2 = scf.for %scan3A_245 = %scan3A to %scan3A_9 step %scan3A_10 iter_args(%scan3A_246 = %broadcast_in_dim3A_5, %scan3A_247 = %broadcast_in_dim3A_7) -> (vector<16xf32>, vector<16xf32>)  : i32 {
      %mul3A_248 = arith.constant 16 : i32
      %mul3A_249 = arith.muli %scan3A_245, %mul3A_248 : i32
      %get3A_250 = arith.index_cast %mul3A_249 : i32 to index
      %get3A_251 = tpu.vector_load %arg13[%get3A_250] {strides = array<i32>} : memref<2048xi32, #tpu.memory_space<vmem>>, vector<16xi32>,
      %gather3A = tpu.vector_load_idx %arg12[%get3A_251] : memref<2048xf32, #tpu.memory_space<vmem>>[vector<16xi32>], vector<16xf32>,
      %mul3A_252 = arith.constant 16 : i32
      %mul3A_253 = arith.muli %scan3A_245, %mul3A_252 : i32
      %swap3A_254 = arith.index_cast %mul3A_253 : i32 to index
      %swap3A_255 = tpu.vector_load %arg14[%swap3A_254] {strides = array<i32>} : memref<2048xf32, #tpu.memory_space<vmem>>, vector<16xf32>,
      tpu.vector_store %arg14[%swap3A_254], %gather3A {strides = array<i32>} : memref<2048xf32, #tpu.memory_space<vmem>>, vector<16xf32>,
      %max3A = arith.maximumf %scan3A_246, %gather3A : vector<16xf32>
      %min3A = arith.minimumf %scan3A_247, %gather3A : vector<16xf32>
      scf.yield %max3A, %min3A : vector<16xf32>, vector<16xf32>
    }
    %scan3A_12 = arith.constant 128 : i32
    %reduce_max3A = arith.constant true
    %reduce_max3A_13 = vector.broadcast %reduce_max3A : i1 to vector<16xi1>
    %reduce_max3A_14 = tpu.scan <max>, %scan3A_11#0 masked %reduce_max3A_13 : vector<16xf32>, vector<16xi1> -> vector<16xf32>
    %reduce_max3A_15 = vector.extract %reduce_max3A_14[15] : f32 from vector<16xf32>
    %reduce_min3A = arith.constant true
    %reduce_min3A_16 = vector.broadcast %reduce_min3A : i1 to vector<16xi1>
    %reduce_min3A_17 = tpu.scan <min>, %scan3A_11#1 masked %reduce_min3A_16 : vector<16xf32>, vector<16xi1> -> vector<16xf32>
    %reduce_min3A_18 = vector.extract %reduce_min3A_17[15] : f32 from vector<16xf32>
    %sub3A = arith.subf %reduce_max3A_15, %reduce_min3A_18 : f32
    %mul3A_19 = arith.constant 2.500000e-02 : f32
    %mul3A_20 = arith.mulf %mul3A_19, %sub3A : f32
    %sub3A_21 = arith.subf %reduce_max3A_15, %mul3A_20 : f32
    %get3A = arith.constant 0 : index
    %get3A_22 = tpu.vector_load %arg13[%get3A] {strides = array<i32>} : memref<2048xi32, #tpu.memory_space<vmem>>, vector<16xi32>,
    %swap3A = arith.constant 0 : index
    %swap3A_23 = tpu.vector_load %arg15[%swap3A] {strides = array<i32>} : memref<2064xi32, #tpu.memory_space<vmem>>, vector<16xi32>,
    tpu.vector_store %arg15[%swap3A], %get3A_22 {strides = array<i32>} : memref<2064xi32, #tpu.memory_space<vmem>>, vector<16xi32>,
    %get3A_24 = arith.constant 16 : index
    %get3A_25 = tpu.vector_load %arg13[%get3A_24] {strides = array<i32>} : memref<2048xi32, #tpu.memory_space<vmem>>, vector<16xi32>,
    %swap3A_26 = arith.constant 16 : index
    %swap3A_27 = tpu.vector_load %arg15[%swap3A_26] {strides = array<i32>} : memref<2064xi32, #tpu.memory_space<vmem>>, vector<16xi32>,
    tpu.vector_store %arg15[%swap3A_26], %get3A_25 {strides = array<i32>} : memref<2064xi32, #tpu.memory_space<vmem>>, vector<16xi32>,
    %get3A_28 = arith.constant 32 : index
    %get3A_29 = tpu.vector_load %arg13[%get3A_28] {strides = array<i32>} : memref<2048xi32, #tpu.memory_space<vmem>>, vector<16xi32>,
    %swap3A_30 = arith.constant 32 : index
    %swap3A_31 = tpu.vector_load %arg15[%swap3A_30] {strides = array<i32>} : memref<2064xi32, #tpu.memory_space<vmem>>, vector<16xi32>,
    tpu.vector_store %arg15[%swap3A_30], %get3A_29 {strides = array<i32>} : memref<2064xi32, #tpu.memory_space<vmem>>, vector<16xi32>,
    %get3A_32 = arith.constant 48 : index
    %get3A_33 = tpu.vector_load %arg13[%get3A_32] {strides = array<i32>} : memref<2048xi32, #tpu.memory_space<vmem>>, vector<16xi32>,
    %swap3A_34 = arith.constant 48 : index
    %swap3A_35 = tpu.vector_load %arg15[%swap3A_34] {strides = array<i32>} : memref<2064xi32, #tpu.memory_space<vmem>>, vector<16xi32>,
    tpu.vector_store %arg15[%swap3A_34], %get3A_33 {strides = array<i32>} : memref<2064xi32, #tpu.memory_space<vmem>>, vector<16xi32>,
    %broadcast_in_dim3A_36 = arith.constant 0.000000e+00 : f32
    %broadcast_in_dim3A_37 = vector.broadcast %broadcast_in_dim3A_36 : f32 to vector<16xf32>
    %scan3A_38 = arith.constant 0 : i32
    %scan3A_39 = arith.constant 0 : i32
    %scan3A_40 = arith.constant 128 : i32
    %scan3A_41 = arith.addi %scan3A_39, %scan3A_40 : i32
    %scan3A_42 = arith.constant 1 : i32
    %scan3A_43:2 = scf.for %scan3A_245 = %scan3A_39 to %scan3A_41 step %scan3A_42 iter_args(%scan3A_246 = %broadcast_in_dim3A_37, %scan3A_247 = %scan3A_38) -> (vector<16xf32>, i32)  : i32 {
      %mul3A_248 = arith.constant 16 : i32
      %mul3A_249 = arith.muli %scan3A_245, %mul3A_248 : i32
      %get3A_250 = arith.index_cast %mul3A_249 : i32 to index
      %get3A_251 = tpu.vector_load %arg14[%get3A_250] {strides = array<i32>} : memref<2048xf32, #tpu.memory_space<vmem>>, vector<16xf32>,
      %mul3A_252 = arith.constant 16 : i32
      %mul3A_253 = arith.muli %scan3A_245, %mul3A_252 : i32
      %get3A_254 = arith.index_cast %mul3A_253 : i32 to index
      %get3A_255 = tpu.vector_load %arg13[%get3A_254] {strides = array<i32>} : memref<2048xi32, #tpu.memory_space<vmem>>, vector<16xi32>,
      %sub3A_256 = vector.broadcast %reduce_max3A_15 : f32 to vector<16xf32>
      %sub3A_257 = arith.subf %get3A_251, %sub3A_256 : vector<16xf32>
      %exp3A = math.exp %sub3A_257 : vector<16xf32>
      %add3A_258 = arith.addf %scan3A_246, %exp3A : vector<16xf32>
      %ge3A = vector.broadcast %sub3A_21 : f32 to vector<16xf32>
      %ge3A_259 = arith.cmpf oge, %get3A_251, %ge3A : vector<16xf32>
      %convert_element_type3A = arith.extui %ge3A_259 : vector<16xi1> to vector<16xi32>
      %cumsum3A = arith.constant true
      %cumsum3A_260 = vector.broadcast %cumsum3A : i1 to vector<16xi1>
      %cumsum3A_261 = tpu.scan <sum>, %convert_element_type3A masked %cumsum3A_260 : vector<16xi32>, vector<16xi1> -> vector<16xi32>
      %add3A_262 = vector.broadcast %scan3A_247 : i32 to vector<16xi32>
      %add3A_263 = arith.addi %add3A_262, %cumsum3A_261 : vector<16xi32>
      %sub3A_264 = arith.constant 1 : i32
      %sub3A_265 = vector.broadcast %sub3A_264 : i32 to vector<16xi32>
      %sub3A_266 = arith.subi %add3A_263, %sub3A_265 : vector<16xi32>
      tpu.vector_store_idx %arg15[%sub3A_266], %get3A_255 masked %ge3A_259 : memref<2064xi32, #tpu.memory_space<vmem>>[vector<16xi32>], vector<16xi32>, vector<16xi1>
      %reduce_sum3A_267 = arith.constant true
      %reduce_sum3A_268 = vector.broadcast %reduce_sum3A_267 : i1 to vector<16xi1>
      %reduce_sum3A_269 = tpu.scan <sum>, %convert_element_type3A masked %reduce_sum3A_268 : vector<16xi32>, vector<16xi1> -> vector<16xi32>
      %reduce_sum3A_270 = vector.extract %reduce_sum3A_269[15] : i32 from vector<16xi32>
      %add3A_271 = arith.addi %scan3A_247, %reduce_sum3A_270 : i32
      scf.yield %add3A_258, %add3A_271 : vector<16xf32>, i32
    }
    %scan3A_44 = arith.constant 128 : i32
    %reduce_sum3A = arith.constant true
    %reduce_sum3A_45 = vector.broadcast %reduce_sum3A : i1 to vector<16xi1>
    %reduce_sum3A_46 = tpu.scan <sum>, %scan3A_43#0 masked %reduce_sum3A_45 : vector<16xf32>, vector<16xi1> -> vector<16xf32>
    %reduce_sum3A_47 = vector.extract %reduce_sum3A_46[15] : f32 from vector<16xf32>
    %broadcast_in_dim3A_48 = arith.constant 0.000000e+00 : f32
    %broadcast_in_dim3A_49 = vector.broadcast %broadcast_in_dim3A_48 : f32 to vector<16xf32>
    %add3A_50 = vector.broadcast %reduce_max3A_15 : f32 to vector<16xf32>
    %add3A_51 = arith.addf %broadcast_in_dim3A_49, %add3A_50 : vector<16xf32>
    %swap3A_52 = arith.constant 0 : index
    %swap3A_53 = tpu.vector_load %arg18[%swap3A_52] {strides = array<i32>} : memref<16xf32, #tpu.memory_space<vmem>>, vector<16xf32>,
    tpu.vector_store %arg18[%swap3A_52], %add3A_51 {strides = array<i32>} : memref<16xf32, #tpu.memory_space<vmem>>, vector<16xf32>,
    %broadcast_in_dim3A_54 = arith.constant 0.000000e+00 : f32
    %broadcast_in_dim3A_55 = vector.broadcast %broadcast_in_dim3A_54 : f32 to vector<16xf32>
    %add3A_56 = vector.broadcast %reduce_sum3A_47 : f32 to vector<16xf32>
    %add3A_57 = arith.addf %broadcast_in_dim3A_55, %add3A_56 : vector<16xf32>
    %swap3A_58 = arith.constant 0 : index
    %swap3A_59 = tpu.vector_load %arg19[%swap3A_58] {strides = array<i32>} : memref<16xf32, #tpu.memory_space<vmem>>, vector<16xf32>,
    tpu.vector_store %arg19[%swap3A_58], %add3A_57 {strides = array<i32>} : memref<16xf32, #tpu.memory_space<vmem>>, vector<16xf32>,
    "tpu.region"() ({
      %run_scoped3A = tpu.sem_alloc : memref<!tpu.dma_semaphore, #tpu.memory_space<semaphore_mem>>
      %dma_start3A_245 = arith.constant 0 : i32
      %dma_start3A_246 = tpu.memref_slice %arg5[%add3A_4, %dma_start3A_245] : memref<64x16xf32, #tpu.memory_space<hbm>> -> memref<1x16xf32, #tpu.memory_space<hbm>>
      %dma_start3A_247 = tpu.memref_squeeze %dma_start3A_246 : memref<1x16xf32, #tpu.memory_space<hbm>> -> memref<16xf32, #tpu.memory_space<hbm>>
      %dma_start3A_248 = arith.constant 0 : i32
      %dma_start3A_249 = tpu.memref_slice %arg5[%add3A_4, %dma_start3A_248] : memref<64x16xf32, #tpu.memory_space<hbm>> -> memref<1x16xf32, #tpu.memory_space<hbm>>
      %dma_start3A_250 = tpu.memref_squeeze %dma_start3A_249 : memref<1x16xf32, #tpu.memory_space<hbm>> -> memref<16xf32, #tpu.memory_space<hbm>>
      tpu.enqueue_dma source(%arg18 : memref<16xf32, #tpu.memory_space<vmem>>) target(%dma_start3A_250 : memref<16xf32, #tpu.memory_space<hbm>>) target_semaphore(%run_scoped3A : memref<!tpu.dma_semaphore, #tpu.memory_space<semaphore_mem>>)
      %dma_wait3A_251 = arith.constant 0 : i32
      %dma_wait3A_252 = tpu.memref_slice %arg5[%add3A_4, %dma_wait3A_251] : memref<64x16xf32, #tpu.memory_space<hbm>> -> memref<1x16xf32, #tpu.memory_space<hbm>>
      %dma_wait3A_253 = tpu.memref_squeeze %dma_wait3A_252 : memref<1x16xf32, #tpu.memory_space<hbm>> -> memref<16xf32, #tpu.memory_space<hbm>>
      %dma_wait3A_254 = arith.constant 0 : i32
      %dma_wait3A_255 = tpu.memref_slice %arg5[%add3A_4, %dma_wait3A_254] : memref<64x16xf32, #tpu.memory_space<hbm>> -> memref<1x16xf32, #tpu.memory_space<hbm>>
      %dma_wait3A_256 = tpu.memref_squeeze %dma_wait3A_255 : memref<1x16xf32, #tpu.memory_space<hbm>> -> memref<16xf32, #tpu.memory_space<hbm>>
      tpu.wait_dma2 semaphore(%run_scoped3A : memref<!tpu.dma_semaphore, #tpu.memory_space<semaphore_mem>>) src(%arg18 : memref<16xf32, #tpu.memory_space<vmem>>) dst(%dma_wait3A_256 : memref<16xf32, #tpu.memory_space<hbm>>)
      tpu.yield
    }) : () -> ()
    "tpu.region"() ({
      %run_scoped3A = tpu.sem_alloc : memref<!tpu.dma_semaphore, #tpu.memory_space<semaphore_mem>>
      %dma_start3A_245 = arith.constant 0 : i32
      %dma_start3A_246 = tpu.memref_slice %arg6[%add3A_4, %dma_start3A_245] : memref<64x16xf32, #tpu.memory_space<hbm>> -> memref<1x16xf32, #tpu.memory_space<hbm>>
      %dma_start3A_247 = tpu.memref_squeeze %dma_start3A_246 : memref<1x16xf32, #tpu.memory_space<hbm>> -> memref<16xf32, #tpu.memory_space<hbm>>
      %dma_start3A_248 = arith.constant 0 : i32
      %dma_start3A_249 = tpu.memref_slice %arg6[%add3A_4, %dma_start3A_248] : memref<64x16xf32, #tpu.memory_space<hbm>> -> memref<1x16xf32, #tpu.memory_space<hbm>>
      %dma_start3A_250 = tpu.memref_squeeze %dma_start3A_249 : memref<1x16xf32, #tpu.memory_space<hbm>> -> memref<16xf32, #tpu.memory_space<hbm>>
      tpu.enqueue_dma source(%arg19 : memref<16xf32, #tpu.memory_space<vmem>>) target(%dma_start3A_250 : memref<16xf32, #tpu.memory_space<hbm>>) target_semaphore(%run_scoped3A : memref<!tpu.dma_semaphore, #tpu.memory_space<semaphore_mem>>)
      %dma_wait3A_251 = arith.constant 0 : i32
      %dma_wait3A_252 = tpu.memref_slice %arg6[%add3A_4, %dma_wait3A_251] : memref<64x16xf32, #tpu.memory_space<hbm>> -> memref<1x16xf32, #tpu.memory_space<hbm>>
      %dma_wait3A_253 = tpu.memref_squeeze %dma_wait3A_252 : memref<1x16xf32, #tpu.memory_space<hbm>> -> memref<16xf32, #tpu.memory_space<hbm>>
      %dma_wait3A_254 = arith.constant 0 : i32
      %dma_wait3A_255 = tpu.memref_slice %arg6[%add3A_4, %dma_wait3A_254] : memref<64x16xf32, #tpu.memory_space<hbm>> -> memref<1x16xf32, #tpu.memory_space<hbm>>
      %dma_wait3A_256 = tpu.memref_squeeze %dma_wait3A_255 : memref<1x16xf32, #tpu.memory_space<hbm>> -> memref<16xf32, #tpu.memory_space<hbm>>
      tpu.wait_dma2 semaphore(%run_scoped3A : memref<!tpu.dma_semaphore, #tpu.memory_space<semaphore_mem>>) src(%arg19 : memref<16xf32, #tpu.memory_space<vmem>>) dst(%dma_wait3A_256 : memref<16xf32, #tpu.memory_space<hbm>>)
      tpu.yield
    }) : () -> ()
    %get3A_60 = arith.constant 0 : index
    %get3A_61 = tpu.vector_load %arg15[%get3A_60] {strides = array<i32>} : memref<2064xi32, #tpu.memory_space<vmem>>, vector<16xi32>,
    %mul3A_62 = arith.constant 64 : i32
    %mul3A_63 = vector.broadcast %mul3A_62 : i32 to vector<16xi32>
    %mul3A_64 = arith.muli %get3A_61, %mul3A_63 : vector<16xi32>
    %add3A_65 = vector.broadcast %add3A_4 : i32 to vector<16xi32>
    %add3A_66 = arith.addi %mul3A_64, %add3A_65 : vector<16xi32>
    %swap3A_67 = arith.constant 0 : index
    %swap3A_68 = tpu.vector_load %arg16[%swap3A_67] {strides = array<i32>} : memref<64xi32, #tpu.memory_space<vmem>>, vector<16xi32>,
    tpu.vector_store %arg16[%swap3A_67], %add3A_66 {strides = array<i32>} : memref<64xi32, #tpu.memory_space<vmem>>, vector<16xi32>,
    %get3A_69 = arith.constant 16 : index
    %get3A_70 = tpu.vector_load %arg15[%get3A_69] {strides = array<i32>} : memref<2064xi32, #tpu.memory_space<vmem>>, vector<16xi32>,
    %mul3A_71 = arith.constant 64 : i32
    %mul3A_72 = vector.broadcast %mul3A_71 : i32 to vector<16xi32>
    %mul3A_73 = arith.muli %get3A_70, %mul3A_72 : vector<16xi32>
    %add3A_74 = vector.broadcast %add3A_4 : i32 to vector<16xi32>
    %add3A_75 = arith.addi %mul3A_73, %add3A_74 : vector<16xi32>
    %swap3A_76 = arith.constant 16 : index
    %swap3A_77 = tpu.vector_load %arg16[%swap3A_76] {strides = array<i32>} : memref<64xi32, #tpu.memory_space<vmem>>, vector<16xi32>,
    tpu.vector_store %arg16[%swap3A_76], %add3A_75 {strides = array<i32>} : memref<64xi32, #tpu.memory_space<vmem>>, vector<16xi32>,
    %get3A_78 = arith.constant 32 : index
    %get3A_79 = tpu.vector_load %arg15[%get3A_78] {strides = array<i32>} : memref<2064xi32, #tpu.memory_space<vmem>>, vector<16xi32>,
    %mul3A_80 = arith.constant 64 : i32
    %mul3A_81 = vector.broadcast %mul3A_80 : i32 to vector<16xi32>
    %mul3A_82 = arith.muli %get3A_79, %mul3A_81 : vector<16xi32>
    %add3A_83 = vector.broadcast %add3A_4 : i32 to vector<16xi32>
    %add3A_84 = arith.addi %mul3A_82, %add3A_83 : vector<16xi32>
    %swap3A_85 = arith.constant 32 : index
    %swap3A_86 = tpu.vector_load %arg16[%swap3A_85] {strides = array<i32>} : memref<64xi32, #tpu.memory_space<vmem>>, vector<16xi32>,
    tpu.vector_store %arg16[%swap3A_85], %add3A_84 {strides = array<i32>} : memref<64xi32, #tpu.memory_space<vmem>>, vector<16xi32>,
    %get3A_87 = arith.constant 48 : index
    %get3A_88 = tpu.vector_load %arg15[%get3A_87] {strides = array<i32>} : memref<2064xi32, #tpu.memory_space<vmem>>, vector<16xi32>,
    %mul3A_89 = arith.constant 64 : i32
    %mul3A_90 = vector.broadcast %mul3A_89 : i32 to vector<16xi32>
    %mul3A_91 = arith.muli %get3A_88, %mul3A_90 : vector<16xi32>
    %add3A_92 = vector.broadcast %add3A_4 : i32 to vector<16xi32>
    %add3A_93 = arith.addi %mul3A_91, %add3A_92 : vector<16xi32>
    %swap3A_94 = arith.constant 48 : index
    %swap3A_95 = tpu.vector_load %arg16[%swap3A_94] {strides = array<i32>} : memref<64xi32, #tpu.memory_space<vmem>>, vector<16xi32>,
    tpu.vector_store %arg16[%swap3A_94], %add3A_93 {strides = array<i32>} : memref<64xi32, #tpu.memory_space<vmem>>, vector<16xi32>,
    %dma_start3A = arith.constant 0 : i32
    %dma_start3A_96 = arith.constant 0 : i32
    %dma_start3A_97 = tpu.memref_slice %arg4[%dma_start3A, %dma_start3A_96] : memref<131072x256xf32, #tpu.memory_space<hbm>> -> memref<131072x256xf32, #tpu.memory_space<hbm>>
    tpu.enqueue_indirect_dma source(%dma_start3A_97 : memref<131072x256xf32, #tpu.memory_space<hbm>>) target(%arg17 : memref<64x256xf32, #tpu.memory_space<vmem>>) offsets(%arg16 : memref<64xi32, #tpu.memory_space<vmem>>) semaphore(%arg21 : memref<!tpu.dma_semaphore, #tpu.memory_space<semaphore_mem>>)
    %dma_wait3A = arith.constant 0 : i32
    %dma_wait3A_98 = arith.constant 0 : i32
    %dma_wait3A_99 = tpu.memref_slice %arg4[%dma_wait3A, %dma_wait3A_98] : memref<131072x256xf32, #tpu.memory_space<hbm>> -> memref<131072x256xf32, #tpu.memory_space<hbm>>
    tpu.wait_indirect_dma semaphore(%arg21 : memref<!tpu.dma_semaphore, #tpu.memory_space<semaphore_mem>>) src(%dma_wait3A_99 : memref<131072x256xf32, #tpu.memory_space<hbm>>) dst(%arg17 : memref<64x256xf32, #tpu.memory_space<vmem>>)
    %mul3A_100 = arith.constant 64 : i32
    %mul3A_101 = arith.muli %add3A_4, %mul3A_100 : i32
    "tpu.region"() ({
      %run_scoped3A = tpu.sem_alloc : memref<!tpu.dma_semaphore, #tpu.memory_space<semaphore_mem>>
      %dma_start3A_245 = arith.constant 0 : i32
      %dma_start3A_246 = tpu.memref_slice %arg11[%mul3A_101, %dma_start3A_245] : memref<4096x256xf32, #tpu.memory_space<hbm>> -> memref<64x256xf32, #tpu.memory_space<hbm>>
      %dma_start3A_247 = arith.constant 0 : i32
      %dma_start3A_248 = tpu.memref_slice %arg11[%mul3A_101, %dma_start3A_247] : memref<4096x256xf32, #tpu.memory_space<hbm>> -> memref<64x256xf32, #tpu.memory_space<hbm>>
      tpu.enqueue_dma source(%arg17 : memref<64x256xf32, #tpu.memory_space<vmem>>) target(%dma_start3A_248 : memref<64x256xf32, #tpu.memory_space<hbm>>) target_semaphore(%run_scoped3A : memref<!tpu.dma_semaphore, #tpu.memory_space<semaphore_mem>>)
      %dma_wait3A_249 = arith.constant 0 : i32
      %dma_wait3A_250 = tpu.memref_slice %arg11[%mul3A_101, %dma_wait3A_249] : memref<4096x256xf32, #tpu.memory_space<hbm>> -> memref<64x256xf32, #tpu.memory_space<hbm>>
      %dma_wait3A_251 = arith.constant 0 : i32
      %dma_wait3A_252 = tpu.memref_slice %arg11[%mul3A_101, %dma_wait3A_251] : memref<4096x256xf32, #tpu.memory_space<hbm>> -> memref<64x256xf32, #tpu.memory_space<hbm>>
      tpu.wait_dma2 semaphore(%run_scoped3A : memref<!tpu.dma_semaphore, #tpu.memory_space<semaphore_mem>>) src(%arg17 : memref<64x256xf32, #tpu.memory_space<vmem>>) dst(%dma_wait3A_252 : memref<64x256xf32, #tpu.memory_space<hbm>>)
      tpu.yield
    }) : () -> ()
    %get3A_102 = arith.constant 0 : index
    %get3A_103 = tpu.vector_load %arg15[%get3A_102] {strides = array<i32>} : memref<2064xi32, #tpu.memory_space<vmem>>, vector<16xi32>,
    %swap3A_104 = arith.constant 0 : index
    %swap3A_105 = tpu.vector_load %arg20[%swap3A_104] {strides = array<i32>} : memref<16xi32, #tpu.memory_space<vmem>>, vector<16xi32>,
    tpu.vector_store %arg20[%swap3A_104], %get3A_103 {strides = array<i32>} : memref<16xi32, #tpu.memory_space<vmem>>, vector<16xi32>,
    "tpu.region"() ({
      %run_scoped3A = tpu.sem_alloc : memref<!tpu.dma_semaphore, #tpu.memory_space<semaphore_mem>>
      %dma_start3A_245 = arith.constant 0 : i32
      %dma_start3A_246 = tpu.memref_slice %arg7[%add3A_4, %dma_start3A_245] : memref<64x16xi32, #tpu.memory_space<hbm>> -> memref<1x16xi32, #tpu.memory_space<hbm>>
      %dma_start3A_247 = tpu.memref_squeeze %dma_start3A_246 : memref<1x16xi32, #tpu.memory_space<hbm>> -> memref<16xi32, #tpu.memory_space<hbm>>
      %dma_start3A_248 = arith.constant 0 : i32
      %dma_start3A_249 = tpu.memref_slice %arg7[%add3A_4, %dma_start3A_248] : memref<64x16xi32, #tpu.memory_space<hbm>> -> memref<1x16xi32, #tpu.memory_space<hbm>>
      %dma_start3A_250 = tpu.memref_squeeze %dma_start3A_249 : memref<1x16xi32, #tpu.memory_space<hbm>> -> memref<16xi32, #tpu.memory_space<hbm>>
      tpu.enqueue_dma source(%arg20 : memref<16xi32, #tpu.memory_space<vmem>>) target(%dma_start3A_250 : memref<16xi32, #tpu.memory_space<hbm>>) target_semaphore(%run_scoped3A : memref<!tpu.dma_semaphore, #tpu.memory_space<semaphore_mem>>)
      %dma_wait3A_251 = arith.constant 0 : i32
      %dma_wait3A_252 = tpu.memref_slice %arg7[%add3A_4, %dma_wait3A_251] : memref<64x16xi32, #tpu.memory_space<hbm>> -> memref<1x16xi32, #tpu.memory_space<hbm>>
      %dma_wait3A_253 = tpu.memref_squeeze %dma_wait3A_252 : memref<1x16xi32, #tpu.memory_space<hbm>> -> memref<16xi32, #tpu.memory_space<hbm>>
      %dma_wait3A_254 = arith.constant 0 : i32
      %dma_wait3A_255 = tpu.memref_slice %arg7[%add3A_4, %dma_wait3A_254] : memref<64x16xi32, #tpu.memory_space<hbm>> -> memref<1x16xi32, #tpu.memory_space<hbm>>
      %dma_wait3A_256 = tpu.memref_squeeze %dma_wait3A_255 : memref<1x16xi32, #tpu.memory_space<hbm>> -> memref<16xi32, #tpu.memory_space<hbm>>
      tpu.wait_dma2 semaphore(%run_scoped3A : memref<!tpu.dma_semaphore, #tpu.memory_space<semaphore_mem>>) src(%arg20 : memref<16xi32, #tpu.memory_space<vmem>>) dst(%dma_wait3A_256 : memref<16xi32, #tpu.memory_space<hbm>>)
      tpu.yield
    }) : () -> ()
    %get3A_106 = arith.constant 16 : index
    %get3A_107 = tpu.vector_load %arg15[%get3A_106] {strides = array<i32>} : memref<2064xi32, #tpu.memory_space<vmem>>, vector<16xi32>,
    %swap3A_108 = arith.constant 0 : index
    %swap3A_109 = tpu.vector_load %arg20[%swap3A_108] {strides = array<i32>} : memref<16xi32, #tpu.memory_space<vmem>>, vector<16xi32>,
    tpu.vector_store %arg20[%swap3A_108], %get3A_107 {strides = array<i32>} : memref<16xi32, #tpu.memory_space<vmem>>, vector<16xi32>,
    "tpu.region"() ({
      %run_scoped3A = tpu.sem_alloc : memref<!tpu.dma_semaphore, #tpu.memory_space<semaphore_mem>>
      %dma_start3A_245 = arith.constant 0 : i32
      %dma_start3A_246 = tpu.memref_slice %arg8[%add3A_4, %dma_start3A_245] : memref<64x16xi32, #tpu.memory_space<hbm>> -> memref<1x16xi32, #tpu.memory_space<hbm>>
      %dma_start3A_247 = tpu.memref_squeeze %dma_start3A_246 : memref<1x16xi32, #tpu.memory_space<hbm>> -> memref<16xi32, #tpu.memory_space<hbm>>
      %dma_start3A_248 = arith.constant 0 : i32
      %dma_start3A_249 = tpu.memref_slice %arg8[%add3A_4, %dma_start3A_248] : memref<64x16xi32, #tpu.memory_space<hbm>> -> memref<1x16xi32, #tpu.memory_space<hbm>>
      %dma_start3A_250 = tpu.memref_squeeze %dma_start3A_249 : memref<1x16xi32, #tpu.memory_space<hbm>> -> memref<16xi32, #tpu.memory_space<hbm>>
      tpu.enqueue_dma source(%arg20 : memref<16xi32, #tpu.memory_space<vmem>>) target(%dma_start3A_250 : memref<16xi32, #tpu.memory_space<hbm>>) target_semaphore(%run_scoped3A : memref<!tpu.dma_semaphore, #tpu.memory_space<semaphore_mem>>)
      %dma_wait3A_251 = arith.constant 0 : i32
      %dma_wait3A_252 = tpu.memref_slice %arg8[%add3A_4, %dma_wait3A_251] : memref<64x16xi32, #tpu.memory_space<hbm>> -> memref<1x16xi32, #tpu.memory_space<hbm>>
      %dma_wait3A_253 = tpu.memref_squeeze %dma_wait3A_252 : memref<1x16xi32, #tpu.memory_space<hbm>> -> memref<16xi32, #tpu.memory_space<hbm>>
      %dma_wait3A_254 = arith.constant 0 : i32
      %dma_wait3A_255 = tpu.memref_slice %arg8[%add3A_4, %dma_wait3A_254] : memref<64x16xi32, #tpu.memory_space<hbm>> -> memref<1x16xi32, #tpu.memory_space<hbm>>
      %dma_wait3A_256 = tpu.memref_squeeze %dma_wait3A_255 : memref<1x16xi32, #tpu.memory_space<hbm>> -> memref<16xi32, #tpu.memory_space<hbm>>
      tpu.wait_dma2 semaphore(%run_scoped3A : memref<!tpu.dma_semaphore, #tpu.memory_space<semaphore_mem>>) src(%arg20 : memref<16xi32, #tpu.memory_space<vmem>>) dst(%dma_wait3A_256 : memref<16xi32, #tpu.memory_space<hbm>>)
      tpu.yield
    }) : () -> ()
    %get3A_110 = arith.constant 32 : index
    %get3A_111 = tpu.vector_load %arg15[%get3A_110] {strides = array<i32>} : memref<2064xi32, #tpu.memory_space<vmem>>, vector<16xi32>,
    %swap3A_112 = arith.constant 0 : index
    %swap3A_113 = tpu.vector_load %arg20[%swap3A_112] {strides = array<i32>} : memref<16xi32, #tpu.memory_space<vmem>>, vector<16xi32>,
    tpu.vector_store %arg20[%swap3A_112], %get3A_111 {strides = array<i32>} : memref<16xi32, #tpu.memory_space<vmem>>, vector<16xi32>,
    "tpu.region"() ({
      %run_scoped3A = tpu.sem_alloc : memref<!tpu.dma_semaphore, #tpu.memory_space<semaphore_mem>>
      %dma_start3A_245 = arith.constant 0 : i32
      %dma_start3A_246 = tpu.memref_slice %arg9[%add3A_4, %dma_start3A_245] : memref<64x16xi32, #tpu.memory_space<hbm>> -> memref<1x16xi32, #tpu.memory_space<hbm>>
      %dma_start3A_247 = tpu.memref_squeeze %dma_start3A_246 : memref<1x16xi32, #tpu.memory_space<hbm>> -> memref<16xi32, #tpu.memory_space<hbm>>
      %dma_start3A_248 = arith.constant 0 : i32
      %dma_start3A_249 = tpu.memref_slice %arg9[%add3A_4, %dma_start3A_248] : memref<64x16xi32, #tpu.memory_space<hbm>> -> memref<1x16xi32, #tpu.memory_space<hbm>>
      %dma_start3A_250 = tpu.memref_squeeze %dma_start3A_249 : memref<1x16xi32, #tpu.memory_space<hbm>> -> memref<16xi32, #tpu.memory_space<hbm>>
      tpu.enqueue_dma source(%arg20 : memref<16xi32, #tpu.memory_space<vmem>>) target(%dma_start3A_250 : memref<16xi32, #tpu.memory_space<hbm>>) target_semaphore(%run_scoped3A : memref<!tpu.dma_semaphore, #tpu.memory_space<semaphore_mem>>)
      %dma_wait3A_251 = arith.constant 0 : i32
      %dma_wait3A_252 = tpu.memref_slice %arg9[%add3A_4, %dma_wait3A_251] : memref<64x16xi32, #tpu.memory_space<hbm>> -> memref<1x16xi32, #tpu.memory_space<hbm>>
      %dma_wait3A_253 = tpu.memref_squeeze %dma_wait3A_252 : memref<1x16xi32, #tpu.memory_space<hbm>> -> memref<16xi32, #tpu.memory_space<hbm>>
      %dma_wait3A_254 = arith.constant 0 : i32
      %dma_wait3A_255 = tpu.memref_slice %arg9[%add3A_4, %dma_wait3A_254] : memref<64x16xi32, #tpu.memory_space<hbm>> -> memref<1x16xi32, #tpu.memory_space<hbm>>
      %dma_wait3A_256 = tpu.memref_squeeze %dma_wait3A_255 : memref<1x16xi32, #tpu.memory_space<hbm>> -> memref<16xi32, #tpu.memory_space<hbm>>
      tpu.wait_dma2 semaphore(%run_scoped3A : memref<!tpu.dma_semaphore, #tpu.memory_space<semaphore_mem>>) src(%arg20 : memref<16xi32, #tpu.memory_space<vmem>>) dst(%dma_wait3A_256 : memref<16xi32, #tpu.memory_space<hbm>>)
      tpu.yield
    }) : () -> ()
    %get3A_114 = arith.constant 48 : index
    %get3A_115 = tpu.vector_load %arg15[%get3A_114] {strides = array<i32>} : memref<2064xi32, #tpu.memory_space<vmem>>, vector<16xi32>,
    %swap3A_116 = arith.constant 0 : index
    %swap3A_117 = tpu.vector_load %arg20[%swap3A_116] {strides = array<i32>} : memref<16xi32, #tpu.memory_space<vmem>>, vector<16xi32>,
    tpu.vector_store %arg20[%swap3A_116], %get3A_115 {strides = array<i32>} : memref<16xi32, #tpu.memory_space<vmem>>, vector<16xi32>,
    "tpu.region"() ({
      %run_scoped3A = tpu.sem_alloc : memref<!tpu.dma_semaphore, #tpu.memory_space<semaphore_mem>>
      %dma_start3A_245 = arith.constant 0 : i32
      %dma_start3A_246 = tpu.memref_slice %arg10[%add3A_4, %dma_start3A_245] : memref<64x16xi32, #tpu.memory_space<hbm>> -> memref<1x16xi32, #tpu.memory_space<hbm>>
      %dma_start3A_247 = tpu.memref_squeeze %dma_start3A_246 : memref<1x16xi32, #tpu.memory_space<hbm>> -> memref<16xi32, #tpu.memory_space<hbm>>
      %dma_start3A_248 = arith.constant 0 : i32
      %dma_start3A_249 = tpu.memref_slice %arg10[%add3A_4, %dma_start3A_248] : memref<64x16xi32, #tpu.memory_space<hbm>> -> memref<1x16xi32, #tpu.memory_space<hbm>>
      %dma_start3A_250 = tpu.memref_squeeze %dma_start3A_249 : memref<1x16xi32, #tpu.memory_space<hbm>> -> memref<16xi32, #tpu.memory_space<hbm>>
      tpu.enqueue_dma source(%arg20 : memref<16xi32, #tpu.memory_space<vmem>>) target(%dma_start3A_250 : memref<16xi32, #tpu.memory_space<hbm>>) target_semaphore(%run_scoped3A : memref<!tpu.dma_semaphore, #tpu.memory_space<semaphore_mem>>)
      %dma_wait3A_251 = arith.constant 0 : i32
      %dma_wait3A_252 = tpu.memref_slice %arg10[%add3A_4, %dma_wait3A_251] : memref<64x16xi32, #tpu.memory_space<hbm>> -> memref<1x16xi32, #tpu.memory_space<hbm>>
      %dma_wait3A_253 = tpu.memref_squeeze %dma_wait3A_252 : memref<1x16xi32, #tpu.memory_space<hbm>> -> memref<16xi32, #tpu.memory_space<hbm>>
      %dma_wait3A_254 = arith.constant 0 : i32
      %dma_wait3A_255 = tpu.memref_slice %arg10[%add3A_4, %dma_wait3A_254] : memref<64x16xi32, #tpu.memory_space<hbm>> -> memref<1x16xi32, #tpu.memory_space<hbm>>
      %dma_wait3A_256 = tpu.memref_squeeze %dma_wait3A_255 : memref<1x16xi32, #tpu.memory_space<hbm>> -> memref<16xi32, #tpu.memory_space<hbm>>
      tpu.wait_dma2 semaphore(%run_scoped3A : memref<!tpu.dma_semaphore, #tpu.memory_space<semaphore_mem>>) src(%arg20 : memref<16xi32, #tpu.memory_space<vmem>>) dst(%dma_wait3A_256 : memref<16xi32, #tpu.memory_space<hbm>>)
      tpu.yield
    }) : () -> ()
    %mul3A_118 = arith.constant 2 : i32
    %mul3A_119 = arith.muli %add3A, %mul3A_118 : i32
    %add3A_120 = arith.constant 1 : i32
    %add3A_121 = arith.addi %mul3A_119, %add3A_120 : i32
    "tpu.region"() ({
      %run_scoped3A = tpu.sem_alloc : memref<!tpu.dma_semaphore, #tpu.memory_space<semaphore_mem>>
      %dma_start3A_245 = arith.constant 0 : i32
      %dma_start3A_246 = tpu.memref_slice %arg2[%add3A_121, %dma_start3A_245] : memref<64x2048xf32, #tpu.memory_space<hbm>> -> memref<1x2048xf32, #tpu.memory_space<hbm>>
      %dma_start3A_247 = tpu.memref_squeeze %dma_start3A_246 : memref<1x2048xf32, #tpu.memory_space<hbm>> -> memref<2048xf32, #tpu.memory_space<hbm>>
      %dma_start3A_248 = arith.constant 0 : i32
      %dma_start3A_249 = tpu.memref_slice %arg2[%add3A_121, %dma_start3A_248] : memref<64x2048xf32, #tpu.memory_space<hbm>> -> memref<1x2048xf32, #tpu.memory_space<hbm>>
      %dma_start3A_250 = tpu.memref_squeeze %dma_start3A_249 : memref<1x2048xf32, #tpu.memory_space<hbm>> -> memref<2048xf32, #tpu.memory_space<hbm>>
      tpu.enqueue_dma source(%dma_start3A_250 : memref<2048xf32, #tpu.memory_space<hbm>>) target(%arg12 : memref<2048xf32, #tpu.memory_space<vmem>>) target_semaphore(%run_scoped3A : memref<!tpu.dma_semaphore, #tpu.memory_space<semaphore_mem>>)
      %dma_wait3A_251 = arith.constant 0 : i32
      %dma_wait3A_252 = tpu.memref_slice %arg2[%add3A_121, %dma_wait3A_251] : memref<64x2048xf32, #tpu.memory_space<hbm>> -> memref<1x2048xf32, #tpu.memory_space<hbm>>
      %dma_wait3A_253 = tpu.memref_squeeze %dma_wait3A_252 : memref<1x2048xf32, #tpu.memory_space<hbm>> -> memref<2048xf32, #tpu.memory_space<hbm>>
      %dma_wait3A_254 = arith.constant 0 : i32
      %dma_wait3A_255 = tpu.memref_slice %arg2[%add3A_121, %dma_wait3A_254] : memref<64x2048xf32, #tpu.memory_space<hbm>> -> memref<1x2048xf32, #tpu.memory_space<hbm>>
      %dma_wait3A_256 = tpu.memref_squeeze %dma_wait3A_255 : memref<1x2048xf32, #tpu.memory_space<hbm>> -> memref<2048xf32, #tpu.memory_space<hbm>>
      tpu.wait_dma2 semaphore(%run_scoped3A : memref<!tpu.dma_semaphore, #tpu.memory_space<semaphore_mem>>) src(%dma_wait3A_256 : memref<2048xf32, #tpu.memory_space<hbm>>) dst(%arg12 : memref<2048xf32, #tpu.memory_space<vmem>>)
      tpu.yield
    }) : () -> ()
    "tpu.region"() ({
      %run_scoped3A = tpu.sem_alloc : memref<!tpu.dma_semaphore, #tpu.memory_space<semaphore_mem>>
      %dma_start3A_245 = arith.constant 0 : i32
      %dma_start3A_246 = tpu.memref_slice %arg3[%add3A_121, %dma_start3A_245] : memref<64x2048xi32, #tpu.memory_space<hbm>> -> memref<1x2048xi32, #tpu.memory_space<hbm>>
      %dma_start3A_247 = tpu.memref_squeeze %dma_start3A_246 : memref<1x2048xi32, #tpu.memory_space<hbm>> -> memref<2048xi32, #tpu.memory_space<hbm>>
      %dma_start3A_248 = arith.constant 0 : i32
      %dma_start3A_249 = tpu.memref_slice %arg3[%add3A_121, %dma_start3A_248] : memref<64x2048xi32, #tpu.memory_space<hbm>> -> memref<1x2048xi32, #tpu.memory_space<hbm>>
      %dma_start3A_250 = tpu.memref_squeeze %dma_start3A_249 : memref<1x2048xi32, #tpu.memory_space<hbm>> -> memref<2048xi32, #tpu.memory_space<hbm>>
      tpu.enqueue_dma source(%dma_start3A_250 : memref<2048xi32, #tpu.memory_space<hbm>>) target(%arg13 : memref<2048xi32, #tpu.memory_space<vmem>>) target_semaphore(%run_scoped3A : memref<!tpu.dma_semaphore, #tpu.memory_space<semaphore_mem>>)
      %dma_wait3A_251 = arith.constant 0 : i32
      %dma_wait3A_252 = tpu.memref_slice %arg3[%add3A_121, %dma_wait3A_251] : memref<64x2048xi32, #tpu.memory_space<hbm>> -> memref<1x2048xi32, #tpu.memory_space<hbm>>
      %dma_wait3A_253 = tpu.memref_squeeze %dma_wait3A_252 : memref<1x2048xi32, #tpu.memory_space<hbm>> -> memref<2048xi32, #tpu.memory_space<hbm>>
      %dma_wait3A_254 = arith.constant 0 : i32
      %dma_wait3A_255 = tpu.memref_slice %arg3[%add3A_121, %dma_wait3A_254] : memref<64x2048xi32, #tpu.memory_space<hbm>> -> memref<1x2048xi32, #tpu.memory_space<hbm>>
      %dma_wait3A_256 = tpu.memref_squeeze %dma_wait3A_255 : memref<1x2048xi32, #tpu.memory_space<hbm>> -> memref<2048xi32, #tpu.memory_space<hbm>>
      tpu.wait_dma2 semaphore(%run_scoped3A : memref<!tpu.dma_semaphore, #tpu.memory_space<semaphore_mem>>) src(%dma_wait3A_256 : memref<2048xi32, #tpu.memory_space<hbm>>) dst(%arg13 : memref<2048xi32, #tpu.memory_space<vmem>>)
      tpu.yield
    }) : () -> ()
    %broadcast_in_dim3A_122 = arith.constant 0xFF800000 : f32
    %broadcast_in_dim3A_123 = vector.broadcast %broadcast_in_dim3A_122 : f32 to vector<16xf32>
    %broadcast_in_dim3A_124 = arith.constant 0x7F800000 : f32
    %broadcast_in_dim3A_125 = vector.broadcast %broadcast_in_dim3A_124 : f32 to vector<16xf32>
    %scan3A_126 = arith.constant 0 : i32
    %scan3A_127 = arith.constant 128 : i32
    %scan3A_128 = arith.addi %scan3A_126, %scan3A_127 : i32
    %scan3A_129 = arith.constant 1 : i32
    %scan3A_130:2 = scf.for %scan3A_245 = %scan3A_126 to %scan3A_128 step %scan3A_129 iter_args(%scan3A_246 = %broadcast_in_dim3A_123, %scan3A_247 = %broadcast_in_dim3A_125) -> (vector<16xf32>, vector<16xf32>)  : i32 {
      %mul3A_248 = arith.constant 16 : i32
      %mul3A_249 = arith.muli %scan3A_245, %mul3A_248 : i32
      %get3A_250 = arith.index_cast %mul3A_249 : i32 to index
      %get3A_251 = tpu.vector_load %arg13[%get3A_250] {strides = array<i32>} : memref<2048xi32, #tpu.memory_space<vmem>>, vector<16xi32>,
      %gather3A = tpu.vector_load_idx %arg12[%get3A_251] : memref<2048xf32, #tpu.memory_space<vmem>>[vector<16xi32>], vector<16xf32>,
      %mul3A_252 = arith.constant 16 : i32
      %mul3A_253 = arith.muli %scan3A_245, %mul3A_252 : i32
      %swap3A_254 = arith.index_cast %mul3A_253 : i32 to index
      %swap3A_255 = tpu.vector_load %arg14[%swap3A_254] {strides = array<i32>} : memref<2048xf32, #tpu.memory_space<vmem>>, vector<16xf32>,
      tpu.vector_store %arg14[%swap3A_254], %gather3A {strides = array<i32>} : memref<2048xf32, #tpu.memory_space<vmem>>, vector<16xf32>,
      %max3A = arith.maximumf %scan3A_246, %gather3A : vector<16xf32>
      %min3A = arith.minimumf %scan3A_247, %gather3A : vector<16xf32>
      scf.yield %max3A, %min3A : vector<16xf32>, vector<16xf32>
    }
    %scan3A_131 = arith.constant 128 : i32
    %reduce_max3A_132 = arith.constant true
    %reduce_max3A_133 = vector.broadcast %reduce_max3A_132 : i1 to vector<16xi1>
    %reduce_max3A_134 = tpu.scan <max>, %scan3A_130#0 masked %reduce_max3A_133 : vector<16xf32>, vector<16xi1> -> vector<16xf32>
    %reduce_max3A_135 = vector.extract %reduce_max3A_134[15] : f32 from vector<16xf32>
    %reduce_min3A_136 = arith.constant true
    %reduce_min3A_137 = vector.broadcast %reduce_min3A_136 : i1 to vector<16xi1>
    %reduce_min3A_138 = tpu.scan <min>, %scan3A_130#1 masked %reduce_min3A_137 : vector<16xf32>, vector<16xi1> -> vector<16xf32>
    %reduce_min3A_139 = vector.extract %reduce_min3A_138[15] : f32 from vector<16xf32>
    %sub3A_140 = arith.subf %reduce_max3A_135, %reduce_min3A_139 : f32
    %mul3A_141 = arith.constant 2.500000e-02 : f32
    %mul3A_142 = arith.mulf %mul3A_141, %sub3A_140 : f32
    %sub3A_143 = arith.subf %reduce_max3A_135, %mul3A_142 : f32
    %get3A_144 = arith.constant 0 : index
    %get3A_145 = tpu.vector_load %arg13[%get3A_144] {strides = array<i32>} : memref<2048xi32, #tpu.memory_space<vmem>>, vector<16xi32>,
    %swap3A_146 = arith.constant 0 : index
    %swap3A_147 = tpu.vector_load %arg15[%swap3A_146] {strides = array<i32>} : memref<2064xi32, #tpu.memory_space<vmem>>, vector<16xi32>,
    tpu.vector_store %arg15[%swap3A_146], %get3A_145 {strides = array<i32>} : memref<2064xi32, #tpu.memory_space<vmem>>, vector<16xi32>,
    %get3A_148 = arith.constant 16 : index
    %get3A_149 = tpu.vector_load %arg13[%get3A_148] {strides = array<i32>} : memref<2048xi32, #tpu.memory_space<vmem>>, vector<16xi32>,
    %swap3A_150 = arith.constant 16 : index
    %swap3A_151 = tpu.vector_load %arg15[%swap3A_150] {strides = array<i32>} : memref<2064xi32, #tpu.memory_space<vmem>>, vector<16xi32>,
    tpu.vector_store %arg15[%swap3A_150], %get3A_149 {strides = array<i32>} : memref<2064xi32, #tpu.memory_space<vmem>>, vector<16xi32>,
    %get3A_152 = arith.constant 32 : index
    %get3A_153 = tpu.vector_load %arg13[%get3A_152] {strides = array<i32>} : memref<2048xi32, #tpu.memory_space<vmem>>, vector<16xi32>,
    %swap3A_154 = arith.constant 32 : index
    %swap3A_155 = tpu.vector_load %arg15[%swap3A_154] {strides = array<i32>} : memref<2064xi32, #tpu.memory_space<vmem>>, vector<16xi32>,
    tpu.vector_store %arg15[%swap3A_154], %get3A_153 {strides = array<i32>} : memref<2064xi32, #tpu.memory_space<vmem>>, vector<16xi32>,
    %get3A_156 = arith.constant 48 : index
    %get3A_157 = tpu.vector_load %arg13[%get3A_156] {strides = array<i32>} : memref<2048xi32, #tpu.memory_space<vmem>>, vector<16xi32>,
    %swap3A_158 = arith.constant 48 : index
    %swap3A_159 = tpu.vector_load %arg15[%swap3A_158] {strides = array<i32>} : memref<2064xi32, #tpu.memory_space<vmem>>, vector<16xi32>,
    tpu.vector_store %arg15[%swap3A_158], %get3A_157 {strides = array<i32>} : memref<2064xi32, #tpu.memory_space<vmem>>, vector<16xi32>,
    %broadcast_in_dim3A_160 = arith.constant 0.000000e+00 : f32
    %broadcast_in_dim3A_161 = vector.broadcast %broadcast_in_dim3A_160 : f32 to vector<16xf32>
    %scan3A_162 = arith.constant 0 : i32
    %scan3A_163 = arith.constant 0 : i32
    %scan3A_164 = arith.constant 128 : i32
    %scan3A_165 = arith.addi %scan3A_163, %scan3A_164 : i32
    %scan3A_166 = arith.constant 1 : i32
    %scan3A_167:2 = scf.for %scan3A_245 = %scan3A_163 to %scan3A_165 step %scan3A_166 iter_args(%scan3A_246 = %broadcast_in_dim3A_161, %scan3A_247 = %scan3A_162) -> (vector<16xf32>, i32)  : i32 {
      %mul3A_248 = arith.constant 16 : i32
      %mul3A_249 = arith.muli %scan3A_245, %mul3A_248 : i32
      %get3A_250 = arith.index_cast %mul3A_249 : i32 to index
      %get3A_251 = tpu.vector_load %arg14[%get3A_250] {strides = array<i32>} : memref<2048xf32, #tpu.memory_space<vmem>>, vector<16xf32>,
      %mul3A_252 = arith.constant 16 : i32
      %mul3A_253 = arith.muli %scan3A_245, %mul3A_252 : i32
      %get3A_254 = arith.index_cast %mul3A_253 : i32 to index
      %get3A_255 = tpu.vector_load %arg13[%get3A_254] {strides = array<i32>} : memref<2048xi32, #tpu.memory_space<vmem>>, vector<16xi32>,
      %sub3A_256 = vector.broadcast %reduce_max3A_135 : f32 to vector<16xf32>
      %sub3A_257 = arith.subf %get3A_251, %sub3A_256 : vector<16xf32>
      %exp3A = math.exp %sub3A_257 : vector<16xf32>
      %add3A_258 = arith.addf %scan3A_246, %exp3A : vector<16xf32>
      %ge3A = vector.broadcast %sub3A_143 : f32 to vector<16xf32>
      %ge3A_259 = arith.cmpf oge, %get3A_251, %ge3A : vector<16xf32>
      %convert_element_type3A = arith.extui %ge3A_259 : vector<16xi1> to vector<16xi32>
      %cumsum3A = arith.constant true
      %cumsum3A_260 = vector.broadcast %cumsum3A : i1 to vector<16xi1>
      %cumsum3A_261 = tpu.scan <sum>, %convert_element_type3A masked %cumsum3A_260 : vector<16xi32>, vector<16xi1> -> vector<16xi32>
      %add3A_262 = vector.broadcast %scan3A_247 : i32 to vector<16xi32>
      %add3A_263 = arith.addi %add3A_262, %cumsum3A_261 : vector<16xi32>
      %sub3A_264 = arith.constant 1 : i32
      %sub3A_265 = vector.broadcast %sub3A_264 : i32 to vector<16xi32>
      %sub3A_266 = arith.subi %add3A_263, %sub3A_265 : vector<16xi32>
      tpu.vector_store_idx %arg15[%sub3A_266], %get3A_255 masked %ge3A_259 : memref<2064xi32, #tpu.memory_space<vmem>>[vector<16xi32>], vector<16xi32>, vector<16xi1>
      %reduce_sum3A_267 = arith.constant true
      %reduce_sum3A_268 = vector.broadcast %reduce_sum3A_267 : i1 to vector<16xi1>
      %reduce_sum3A_269 = tpu.scan <sum>, %convert_element_type3A masked %reduce_sum3A_268 : vector<16xi32>, vector<16xi1> -> vector<16xi32>
      %reduce_sum3A_270 = vector.extract %reduce_sum3A_269[15] : i32 from vector<16xi32>
      %add3A_271 = arith.addi %scan3A_247, %reduce_sum3A_270 : i32
      scf.yield %add3A_258, %add3A_271 : vector<16xf32>, i32
    }
    %scan3A_168 = arith.constant 128 : i32
    %reduce_sum3A_169 = arith.constant true
    %reduce_sum3A_170 = vector.broadcast %reduce_sum3A_169 : i1 to vector<16xi1>
    %reduce_sum3A_171 = tpu.scan <sum>, %scan3A_167#0 masked %reduce_sum3A_170 : vector<16xf32>, vector<16xi1> -> vector<16xf32>
    %reduce_sum3A_172 = vector.extract %reduce_sum3A_171[15] : f32 from vector<16xf32>
    %broadcast_in_dim3A_173 = arith.constant 0.000000e+00 : f32
    %broadcast_in_dim3A_174 = vector.broadcast %broadcast_in_dim3A_173 : f32 to vector<16xf32>
    %add3A_175 = vector.broadcast %reduce_max3A_135 : f32 to vector<16xf32>
    %add3A_176 = arith.addf %broadcast_in_dim3A_174, %add3A_175 : vector<16xf32>
    %swap3A_177 = arith.constant 0 : index
    %swap3A_178 = tpu.vector_load %arg18[%swap3A_177] {strides = array<i32>} : memref<16xf32, #tpu.memory_space<vmem>>, vector<16xf32>,
    tpu.vector_store %arg18[%swap3A_177], %add3A_176 {strides = array<i32>} : memref<16xf32, #tpu.memory_space<vmem>>, vector<16xf32>,
    %broadcast_in_dim3A_179 = arith.constant 0.000000e+00 : f32
    %broadcast_in_dim3A_180 = vector.broadcast %broadcast_in_dim3A_179 : f32 to vector<16xf32>
    %add3A_181 = vector.broadcast %reduce_sum3A_172 : f32 to vector<16xf32>
    %add3A_182 = arith.addf %broadcast_in_dim3A_180, %add3A_181 : vector<16xf32>
    %swap3A_183 = arith.constant 0 : index
    %swap3A_184 = tpu.vector_load %arg19[%swap3A_183] {strides = array<i32>} : memref<16xf32, #tpu.memory_space<vmem>>, vector<16xf32>,
    tpu.vector_store %arg19[%swap3A_183], %add3A_182 {strides = array<i32>} : memref<16xf32, #tpu.memory_space<vmem>>, vector<16xf32>,
    "tpu.region"() ({
      %run_scoped3A = tpu.sem_alloc : memref<!tpu.dma_semaphore, #tpu.memory_space<semaphore_mem>>
      %dma_start3A_245 = arith.constant 0 : i32
      %dma_start3A_246 = tpu.memref_slice %arg5[%add3A_121, %dma_start3A_245] : memref<64x16xf32, #tpu.memory_space<hbm>> -> memref<1x16xf32, #tpu.memory_space<hbm>>
      %dma_start3A_247 = tpu.memref_squeeze %dma_start3A_246 : memref<1x16xf32, #tpu.memory_space<hbm>> -> memref<16xf32, #tpu.memory_space<hbm>>
      %dma_start3A_248 = arith.constant 0 : i32
      %dma_start3A_249 = tpu.memref_slice %arg5[%add3A_121, %dma_start3A_248] : memref<64x16xf32, #tpu.memory_space<hbm>> -> memref<1x16xf32, #tpu.memory_space<hbm>>
      %dma_start3A_250 = tpu.memref_squeeze %dma_start3A_249 : memref<1x16xf32, #tpu.memory_space<hbm>> -> memref<16xf32, #tpu.memory_space<hbm>>
      tpu.enqueue_dma source(%arg18 : memref<16xf32, #tpu.memory_space<vmem>>) target(%dma_start3A_250 : memref<16xf32, #tpu.memory_space<hbm>>) target_semaphore(%run_scoped3A : memref<!tpu.dma_semaphore, #tpu.memory_space<semaphore_mem>>)
      %dma_wait3A_251 = arith.constant 0 : i32
      %dma_wait3A_252 = tpu.memref_slice %arg5[%add3A_121, %dma_wait3A_251] : memref<64x16xf32, #tpu.memory_space<hbm>> -> memref<1x16xf32, #tpu.memory_space<hbm>>
      %dma_wait3A_253 = tpu.memref_squeeze %dma_wait3A_252 : memref<1x16xf32, #tpu.memory_space<hbm>> -> memref<16xf32, #tpu.memory_space<hbm>>
      %dma_wait3A_254 = arith.constant 0 : i32
      %dma_wait3A_255 = tpu.memref_slice %arg5[%add3A_121, %dma_wait3A_254] : memref<64x16xf32, #tpu.memory_space<hbm>> -> memref<1x16xf32, #tpu.memory_space<hbm>>
      %dma_wait3A_256 = tpu.memref_squeeze %dma_wait3A_255 : memref<1x16xf32, #tpu.memory_space<hbm>> -> memref<16xf32, #tpu.memory_space<hbm>>
      tpu.wait_dma2 semaphore(%run_scoped3A : memref<!tpu.dma_semaphore, #tpu.memory_space<semaphore_mem>>) src(%arg18 : memref<16xf32, #tpu.memory_space<vmem>>) dst(%dma_wait3A_256 : memref<16xf32, #tpu.memory_space<hbm>>)
      tpu.yield
    }) : () -> ()
    "tpu.region"() ({
      %run_scoped3A = tpu.sem_alloc : memref<!tpu.dma_semaphore, #tpu.memory_space<semaphore_mem>>
      %dma_start3A_245 = arith.constant 0 : i32
      %dma_start3A_246 = tpu.memref_slice %arg6[%add3A_121, %dma_start3A_245] : memref<64x16xf32, #tpu.memory_space<hbm>> -> memref<1x16xf32, #tpu.memory_space<hbm>>
      %dma_start3A_247 = tpu.memref_squeeze %dma_start3A_246 : memref<1x16xf32, #tpu.memory_space<hbm>> -> memref<16xf32, #tpu.memory_space<hbm>>
      %dma_start3A_248 = arith.constant 0 : i32
      %dma_start3A_249 = tpu.memref_slice %arg6[%add3A_121, %dma_start3A_248] : memref<64x16xf32, #tpu.memory_space<hbm>> -> memref<1x16xf32, #tpu.memory_space<hbm>>
      %dma_start3A_250 = tpu.memref_squeeze %dma_start3A_249 : memref<1x16xf32, #tpu.memory_space<hbm>> -> memref<16xf32, #tpu.memory_space<hbm>>
      tpu.enqueue_dma source(%arg19 : memref<16xf32, #tpu.memory_space<vmem>>) target(%dma_start3A_250 : memref<16xf32, #tpu.memory_space<hbm>>) target_semaphore(%run_scoped3A : memref<!tpu.dma_semaphore, #tpu.memory_space<semaphore_mem>>)
      %dma_wait3A_251 = arith.constant 0 : i32
      %dma_wait3A_252 = tpu.memref_slice %arg6[%add3A_121, %dma_wait3A_251] : memref<64x16xf32, #tpu.memory_space<hbm>> -> memref<1x16xf32, #tpu.memory_space<hbm>>
      %dma_wait3A_253 = tpu.memref_squeeze %dma_wait3A_252 : memref<1x16xf32, #tpu.memory_space<hbm>> -> memref<16xf32, #tpu.memory_space<hbm>>
      %dma_wait3A_254 = arith.constant 0 : i32
      %dma_wait3A_255 = tpu.memref_slice %arg6[%add3A_121, %dma_wait3A_254] : memref<64x16xf32, #tpu.memory_space<hbm>> -> memref<1x16xf32, #tpu.memory_space<hbm>>
      %dma_wait3A_256 = tpu.memref_squeeze %dma_wait3A_255 : memref<1x16xf32, #tpu.memory_space<hbm>> -> memref<16xf32, #tpu.memory_space<hbm>>
      tpu.wait_dma2 semaphore(%run_scoped3A : memref<!tpu.dma_semaphore, #tpu.memory_space<semaphore_mem>>) src(%arg19 : memref<16xf32, #tpu.memory_space<vmem>>) dst(%dma_wait3A_256 : memref<16xf32, #tpu.memory_space<hbm>>)
      tpu.yield
    }) : () -> ()
    %get3A_185 = arith.constant 0 : index
    %get3A_186 = tpu.vector_load %arg15[%get3A_185] {strides = array<i32>} : memref<2064xi32, #tpu.memory_space<vmem>>, vector<16xi32>,
    %mul3A_187 = arith.constant 64 : i32
    %mul3A_188 = vector.broadcast %mul3A_187 : i32 to vector<16xi32>
    %mul3A_189 = arith.muli %get3A_186, %mul3A_188 : vector<16xi32>
    %add3A_190 = vector.broadcast %add3A_121 : i32 to vector<16xi32>
    %add3A_191 = arith.addi %mul3A_189, %add3A_190 : vector<16xi32>
    %swap3A_192 = arith.constant 0 : index
    %swap3A_193 = tpu.vector_load %arg16[%swap3A_192] {strides = array<i32>} : memref<64xi32, #tpu.memory_space<vmem>>, vector<16xi32>,
    tpu.vector_store %arg16[%swap3A_192], %add3A_191 {strides = array<i32>} : memref<64xi32, #tpu.memory_space<vmem>>, vector<16xi32>,
    %get3A_194 = arith.constant 16 : index
    %get3A_195 = tpu.vector_load %arg15[%get3A_194] {strides = array<i32>} : memref<2064xi32, #tpu.memory_space<vmem>>, vector<16xi32>,
    %mul3A_196 = arith.constant 64 : i32
    %mul3A_197 = vector.broadcast %mul3A_196 : i32 to vector<16xi32>
    %mul3A_198 = arith.muli %get3A_195, %mul3A_197 : vector<16xi32>
    %add3A_199 = vector.broadcast %add3A_121 : i32 to vector<16xi32>
    %add3A_200 = arith.addi %mul3A_198, %add3A_199 : vector<16xi32>
    %swap3A_201 = arith.constant 16 : index
    %swap3A_202 = tpu.vector_load %arg16[%swap3A_201] {strides = array<i32>} : memref<64xi32, #tpu.memory_space<vmem>>, vector<16xi32>,
    tpu.vector_store %arg16[%swap3A_201], %add3A_200 {strides = array<i32>} : memref<64xi32, #tpu.memory_space<vmem>>, vector<16xi32>,
    %get3A_203 = arith.constant 32 : index
    %get3A_204 = tpu.vector_load %arg15[%get3A_203] {strides = array<i32>} : memref<2064xi32, #tpu.memory_space<vmem>>, vector<16xi32>,
    %mul3A_205 = arith.constant 64 : i32
    %mul3A_206 = vector.broadcast %mul3A_205 : i32 to vector<16xi32>
    %mul3A_207 = arith.muli %get3A_204, %mul3A_206 : vector<16xi32>
    %add3A_208 = vector.broadcast %add3A_121 : i32 to vector<16xi32>
    %add3A_209 = arith.addi %mul3A_207, %add3A_208 : vector<16xi32>
    %swap3A_210 = arith.constant 32 : index
    %swap3A_211 = tpu.vector_load %arg16[%swap3A_210] {strides = array<i32>} : memref<64xi32, #tpu.memory_space<vmem>>, vector<16xi32>,
    tpu.vector_store %arg16[%swap3A_210], %add3A_209 {strides = array<i32>} : memref<64xi32, #tpu.memory_space<vmem>>, vector<16xi32>,
    %get3A_212 = arith.constant 48 : index
    %get3A_213 = tpu.vector_load %arg15[%get3A_212] {strides = array<i32>} : memref<2064xi32, #tpu.memory_space<vmem>>, vector<16xi32>,
    %mul3A_214 = arith.constant 64 : i32
    %mul3A_215 = vector.broadcast %mul3A_214 : i32 to vector<16xi32>
    %mul3A_216 = arith.muli %get3A_213, %mul3A_215 : vector<16xi32>
    %add3A_217 = vector.broadcast %add3A_121 : i32 to vector<16xi32>
    %add3A_218 = arith.addi %mul3A_216, %add3A_217 : vector<16xi32>
    %swap3A_219 = arith.constant 48 : index
    %swap3A_220 = tpu.vector_load %arg16[%swap3A_219] {strides = array<i32>} : memref<64xi32, #tpu.memory_space<vmem>>, vector<16xi32>,
    tpu.vector_store %arg16[%swap3A_219], %add3A_218 {strides = array<i32>} : memref<64xi32, #tpu.memory_space<vmem>>, vector<16xi32>,
    %dma_start3A_221 = arith.constant 0 : i32
    %dma_start3A_222 = arith.constant 0 : i32
    %dma_start3A_223 = tpu.memref_slice %arg4[%dma_start3A_221, %dma_start3A_222] : memref<131072x256xf32, #tpu.memory_space<hbm>> -> memref<131072x256xf32, #tpu.memory_space<hbm>>
    tpu.enqueue_indirect_dma source(%dma_start3A_223 : memref<131072x256xf32, #tpu.memory_space<hbm>>) target(%arg17 : memref<64x256xf32, #tpu.memory_space<vmem>>) offsets(%arg16 : memref<64xi32, #tpu.memory_space<vmem>>) semaphore(%arg21 : memref<!tpu.dma_semaphore, #tpu.memory_space<semaphore_mem>>)
    %dma_wait3A_224 = arith.constant 0 : i32
    %dma_wait3A_225 = arith.constant 0 : i32
    %dma_wait3A_226 = tpu.memref_slice %arg4[%dma_wait3A_224, %dma_wait3A_225] : memref<131072x256xf32, #tpu.memory_space<hbm>> -> memref<131072x256xf32, #tpu.memory_space<hbm>>
    tpu.wait_indirect_dma semaphore(%arg21 : memref<!tpu.dma_semaphore, #tpu.memory_space<semaphore_mem>>) src(%dma_wait3A_226 : memref<131072x256xf32, #tpu.memory_space<hbm>>) dst(%arg17 : memref<64x256xf32, #tpu.memory_space<vmem>>)
    %mul3A_227 = arith.constant 64 : i32
    %mul3A_228 = arith.muli %add3A_121, %mul3A_227 : i32
    "tpu.region"() ({
      %run_scoped3A = tpu.sem_alloc : memref<!tpu.dma_semaphore, #tpu.memory_space<semaphore_mem>>
      %dma_start3A_245 = arith.constant 0 : i32
      %dma_start3A_246 = tpu.memref_slice %arg11[%mul3A_228, %dma_start3A_245] : memref<4096x256xf32, #tpu.memory_space<hbm>> -> memref<64x256xf32, #tpu.memory_space<hbm>>
      %dma_start3A_247 = arith.constant 0 : i32
      %dma_start3A_248 = tpu.memref_slice %arg11[%mul3A_228, %dma_start3A_247] : memref<4096x256xf32, #tpu.memory_space<hbm>> -> memref<64x256xf32, #tpu.memory_space<hbm>>
      tpu.enqueue_dma source(%arg17 : memref<64x256xf32, #tpu.memory_space<vmem>>) target(%dma_start3A_248 : memref<64x256xf32, #tpu.memory_space<hbm>>) target_semaphore(%run_scoped3A : memref<!tpu.dma_semaphore, #tpu.memory_space<semaphore_mem>>)
      %dma_wait3A_249 = arith.constant 0 : i32
      %dma_wait3A_250 = tpu.memref_slice %arg11[%mul3A_228, %dma_wait3A_249] : memref<4096x256xf32, #tpu.memory_space<hbm>> -> memref<64x256xf32, #tpu.memory_space<hbm>>
      %dma_wait3A_251 = arith.constant 0 : i32
      %dma_wait3A_252 = tpu.memref_slice %arg11[%mul3A_228, %dma_wait3A_251] : memref<4096x256xf32, #tpu.memory_space<hbm>> -> memref<64x256xf32, #tpu.memory_space<hbm>>
      tpu.wait_dma2 semaphore(%run_scoped3A : memref<!tpu.dma_semaphore, #tpu.memory_space<semaphore_mem>>) src(%arg17 : memref<64x256xf32, #tpu.memory_space<vmem>>) dst(%dma_wait3A_252 : memref<64x256xf32, #tpu.memory_space<hbm>>)
      tpu.yield
    }) : () -> ()
    %get3A_229 = arith.constant 0 : index
    %get3A_230 = tpu.vector_load %arg15[%get3A_229] {strides = array<i32>} : memref<2064xi32, #tpu.memory_space<vmem>>, vector<16xi32>,
    %swap3A_231 = arith.constant 0 : index
    %swap3A_232 = tpu.vector_load %arg20[%swap3A_231] {strides = array<i32>} : memref<16xi32, #tpu.memory_space<vmem>>, vector<16xi32>,
    tpu.vector_store %arg20[%swap3A_231], %get3A_230 {strides = array<i32>} : memref<16xi32, #tpu.memory_space<vmem>>, vector<16xi32>,
    "tpu.region"() ({
      %run_scoped3A = tpu.sem_alloc : memref<!tpu.dma_semaphore, #tpu.memory_space<semaphore_mem>>
      %dma_start3A_245 = arith.constant 0 : i32
      %dma_start3A_246 = tpu.memref_slice %arg7[%add3A_121, %dma_start3A_245] : memref<64x16xi32, #tpu.memory_space<hbm>> -> memref<1x16xi32, #tpu.memory_space<hbm>>
      %dma_start3A_247 = tpu.memref_squeeze %dma_start3A_246 : memref<1x16xi32, #tpu.memory_space<hbm>> -> memref<16xi32, #tpu.memory_space<hbm>>
      %dma_start3A_248 = arith.constant 0 : i32
      %dma_start3A_249 = tpu.memref_slice %arg7[%add3A_121, %dma_start3A_248] : memref<64x16xi32, #tpu.memory_space<hbm>> -> memref<1x16xi32, #tpu.memory_space<hbm>>
      %dma_start3A_250 = tpu.memref_squeeze %dma_start3A_249 : memref<1x16xi32, #tpu.memory_space<hbm>> -> memref<16xi32, #tpu.memory_space<hbm>>
      tpu.enqueue_dma source(%arg20 : memref<16xi32, #tpu.memory_space<vmem>>) target(%dma_start3A_250 : memref<16xi32, #tpu.memory_space<hbm>>) target_semaphore(%run_scoped3A : memref<!tpu.dma_semaphore, #tpu.memory_space<semaphore_mem>>)
      %dma_wait3A_251 = arith.constant 0 : i32
      %dma_wait3A_252 = tpu.memref_slice %arg7[%add3A_121, %dma_wait3A_251] : memref<64x16xi32, #tpu.memory_space<hbm>> -> memref<1x16xi32, #tpu.memory_space<hbm>>
      %dma_wait3A_253 = tpu.memref_squeeze %dma_wait3A_252 : memref<1x16xi32, #tpu.memory_space<hbm>> -> memref<16xi32, #tpu.memory_space<hbm>>
      %dma_wait3A_254 = arith.constant 0 : i32
      %dma_wait3A_255 = tpu.memref_slice %arg7[%add3A_121, %dma_wait3A_254] : memref<64x16xi32, #tpu.memory_space<hbm>> -> memref<1x16xi32, #tpu.memory_space<hbm>>
      %dma_wait3A_256 = tpu.memref_squeeze %dma_wait3A_255 : memref<1x16xi32, #tpu.memory_space<hbm>> -> memref<16xi32, #tpu.memory_space<hbm>>
      tpu.wait_dma2 semaphore(%run_scoped3A : memref<!tpu.dma_semaphore, #tpu.memory_space<semaphore_mem>>) src(%arg20 : memref<16xi32, #tpu.memory_space<vmem>>) dst(%dma_wait3A_256 : memref<16xi32, #tpu.memory_space<hbm>>)
      tpu.yield
    }) : () -> ()
    %get3A_233 = arith.constant 16 : index
    %get3A_234 = tpu.vector_load %arg15[%get3A_233] {strides = array<i32>} : memref<2064xi32, #tpu.memory_space<vmem>>, vector<16xi32>,
    %swap3A_235 = arith.constant 0 : index
    %swap3A_236 = tpu.vector_load %arg20[%swap3A_235] {strides = array<i32>} : memref<16xi32, #tpu.memory_space<vmem>>, vector<16xi32>,
    tpu.vector_store %arg20[%swap3A_235], %get3A_234 {strides = array<i32>} : memref<16xi32, #tpu.memory_space<vmem>>, vector<16xi32>,
    "tpu.region"() ({
      %run_scoped3A = tpu.sem_alloc : memref<!tpu.dma_semaphore, #tpu.memory_space<semaphore_mem>>
      %dma_start3A_245 = arith.constant 0 : i32
      %dma_start3A_246 = tpu.memref_slice %arg8[%add3A_121, %dma_start3A_245] : memref<64x16xi32, #tpu.memory_space<hbm>> -> memref<1x16xi32, #tpu.memory_space<hbm>>
      %dma_start3A_247 = tpu.memref_squeeze %dma_start3A_246 : memref<1x16xi32, #tpu.memory_space<hbm>> -> memref<16xi32, #tpu.memory_space<hbm>>
      %dma_start3A_248 = arith.constant 0 : i32
      %dma_start3A_249 = tpu.memref_slice %arg8[%add3A_121, %dma_start3A_248] : memref<64x16xi32, #tpu.memory_space<hbm>> -> memref<1x16xi32, #tpu.memory_space<hbm>>
      %dma_start3A_250 = tpu.memref_squeeze %dma_start3A_249 : memref<1x16xi32, #tpu.memory_space<hbm>> -> memref<16xi32, #tpu.memory_space<hbm>>
      tpu.enqueue_dma source(%arg20 : memref<16xi32, #tpu.memory_space<vmem>>) target(%dma_start3A_250 : memref<16xi32, #tpu.memory_space<hbm>>) target_semaphore(%run_scoped3A : memref<!tpu.dma_semaphore, #tpu.memory_space<semaphore_mem>>)
      %dma_wait3A_251 = arith.constant 0 : i32
      %dma_wait3A_252 = tpu.memref_slice %arg8[%add3A_121, %dma_wait3A_251] : memref<64x16xi32, #tpu.memory_space<hbm>> -> memref<1x16xi32, #tpu.memory_space<hbm>>
      %dma_wait3A_253 = tpu.memref_squeeze %dma_wait3A_252 : memref<1x16xi32, #tpu.memory_space<hbm>> -> memref<16xi32, #tpu.memory_space<hbm>>
      %dma_wait3A_254 = arith.constant 0 : i32
      %dma_wait3A_255 = tpu.memref_slice %arg8[%add3A_121, %dma_wait3A_254] : memref<64x16xi32, #tpu.memory_space<hbm>> -> memref<1x16xi32, #tpu.memory_space<hbm>>
      %dma_wait3A_256 = tpu.memref_squeeze %dma_wait3A_255 : memref<1x16xi32, #tpu.memory_space<hbm>> -> memref<16xi32, #tpu.memory_space<hbm>>
      tpu.wait_dma2 semaphore(%run_scoped3A : memref<!tpu.dma_semaphore, #tpu.memory_space<semaphore_mem>>) src(%arg20 : memref<16xi32, #tpu.memory_space<vmem>>) dst(%dma_wait3A_256 : memref<16xi32, #tpu.memory_space<hbm>>)
      tpu.yield
    }) : () -> ()
    %get3A_237 = arith.constant 32 : index
    %get3A_238 = tpu.vector_load %arg15[%get3A_237] {strides = array<i32>} : memref<2064xi32, #tpu.memory_space<vmem>>, vector<16xi32>,
    %swap3A_239 = arith.constant 0 : index
    %swap3A_240 = tpu.vector_load %arg20[%swap3A_239] {strides = array<i32>} : memref<16xi32, #tpu.memory_space<vmem>>, vector<16xi32>,
    tpu.vector_store %arg20[%swap3A_239], %get3A_238 {strides = array<i32>} : memref<16xi32, #tpu.memory_space<vmem>>, vector<16xi32>,
    "tpu.region"() ({
      %run_scoped3A = tpu.sem_alloc : memref<!tpu.dma_semaphore, #tpu.memory_space<semaphore_mem>>
      %dma_start3A_245 = arith.constant 0 : i32
      %dma_start3A_246 = tpu.memref_slice %arg9[%add3A_121, %dma_start3A_245] : memref<64x16xi32, #tpu.memory_space<hbm>> -> memref<1x16xi32, #tpu.memory_space<hbm>>
      %dma_start3A_247 = tpu.memref_squeeze %dma_start3A_246 : memref<1x16xi32, #tpu.memory_space<hbm>> -> memref<16xi32, #tpu.memory_space<hbm>>
      %dma_start3A_248 = arith.constant 0 : i32
      %dma_start3A_249 = tpu.memref_slice %arg9[%add3A_121, %dma_start3A_248] : memref<64x16xi32, #tpu.memory_space<hbm>> -> memref<1x16xi32, #tpu.memory_space<hbm>>
      %dma_start3A_250 = tpu.memref_squeeze %dma_start3A_249 : memref<1x16xi32, #tpu.memory_space<hbm>> -> memref<16xi32, #tpu.memory_space<hbm>>
      tpu.enqueue_dma source(%arg20 : memref<16xi32, #tpu.memory_space<vmem>>) target(%dma_start3A_250 : memref<16xi32, #tpu.memory_space<hbm>>) target_semaphore(%run_scoped3A : memref<!tpu.dma_semaphore, #tpu.memory_space<semaphore_mem>>)
      %dma_wait3A_251 = arith.constant 0 : i32
      %dma_wait3A_252 = tpu.memref_slice %arg9[%add3A_121, %dma_wait3A_251] : memref<64x16xi32, #tpu.memory_space<hbm>> -> memref<1x16xi32, #tpu.memory_space<hbm>>
      %dma_wait3A_253 = tpu.memref_squeeze %dma_wait3A_252 : memref<1x16xi32, #tpu.memory_space<hbm>> -> memref<16xi32, #tpu.memory_space<hbm>>
      %dma_wait3A_254 = arith.constant 0 : i32
      %dma_wait3A_255 = tpu.memref_slice %arg9[%add3A_121, %dma_wait3A_254] : memref<64x16xi32, #tpu.memory_space<hbm>> -> memref<1x16xi32, #tpu.memory_space<hbm>>
      %dma_wait3A_256 = tpu.memref_squeeze %dma_wait3A_255 : memref<1x16xi32, #tpu.memory_space<hbm>> -> memref<16xi32, #tpu.memory_space<hbm>>
      tpu.wait_dma2 semaphore(%run_scoped3A : memref<!tpu.dma_semaphore, #tpu.memory_space<semaphore_mem>>) src(%arg20 : memref<16xi32, #tpu.memory_space<vmem>>) dst(%dma_wait3A_256 : memref<16xi32, #tpu.memory_space<hbm>>)
      tpu.yield
    }) : () -> ()
    %get3A_241 = arith.constant 48 : index
    %get3A_242 = tpu.vector_load %arg15[%get3A_241] {strides = array<i32>} : memref<2064xi32, #tpu.memory_space<vmem>>, vector<16xi32>,
    %swap3A_243 = arith.constant 0 : index
    %swap3A_244 = tpu.vector_load %arg20[%swap3A_243] {strides = array<i32>} : memref<16xi32, #tpu.memory_space<vmem>>, vector<16xi32>,
    tpu.vector_store %arg20[%swap3A_243], %get3A_242 {strides = array<i32>} : memref<16xi32, #tpu.memory_space<vmem>>, vector<16xi32>,
    "tpu.region"() ({
      %run_scoped3A = tpu.sem_alloc : memref<!tpu.dma_semaphore, #tpu.memory_space<semaphore_mem>>
      %dma_start3A_245 = arith.constant 0 : i32
      %dma_start3A_246 = tpu.memref_slice %arg10[%add3A_121, %dma_start3A_245] : memref<64x16xi32, #tpu.memory_space<hbm>> -> memref<1x16xi32, #tpu.memory_space<hbm>>
      %dma_start3A_247 = tpu.memref_squeeze %dma_start3A_246 : memref<1x16xi32, #tpu.memory_space<hbm>> -> memref<16xi32, #tpu.memory_space<hbm>>
      %dma_start3A_248 = arith.constant 0 : i32
      %dma_start3A_249 = tpu.memref_slice %arg10[%add3A_121, %dma_start3A_248] : memref<64x16xi32, #tpu.memory_space<hbm>> -> memref<1x16xi32, #tpu.memory_space<hbm>>
      %dma_start3A_250 = tpu.memref_squeeze %dma_start3A_249 : memref<1x16xi32, #tpu.memory_space<hbm>> -> memref<16xi32, #tpu.memory_space<hbm>>
      tpu.enqueue_dma source(%arg20 : memref<16xi32, #tpu.memory_space<vmem>>) target(%dma_start3A_250 : memref<16xi32, #tpu.memory_space<hbm>>) target_semaphore(%run_scoped3A : memref<!tpu.dma_semaphore, #tpu.memory_space<semaphore_mem>>)
      %dma_wait3A_251 = arith.constant 0 : i32
      %dma_wait3A_252 = tpu.memref_slice %arg10[%add3A_121, %dma_wait3A_251] : memref<64x16xi32, #tpu.memory_space<hbm>> -> memref<1x16xi32, #tpu.memory_space<hbm>>
      %dma_wait3A_253 = tpu.memref_squeeze %dma_wait3A_252 : memref<1x16xi32, #tpu.memory_space<hbm>> -> memref<16xi32, #tpu.memory_space<hbm>>
      %dma_wait3A_254 = arith.constant 0 : i32
      %dma_wait3A_255 = tpu.memref_slice %arg10[%add3A_121, %dma_wait3A_254] : memref<64x16xi32, #tpu.memory_space<hbm>> -> memref<1x16xi32, #tpu.memory_space<hbm>>
      %dma_wait3A_256 = tpu.memref_squeeze %dma_wait3A_255 : memref<1x16xi32, #tpu.memory_space<hbm>> -> memref<16xi32, #tpu.memory_space<hbm>>
      tpu.wait_dma2 semaphore(%run_scoped3A : memref<!tpu.dma_semaphore, #tpu.memory_space<semaphore_mem>>) src(%arg20 : memref<16xi32, #tpu.memory_space<vmem>>) dst(%dma_wait3A_256 : memref<16xi32, #tpu.memory_space<hbm>>)
      tpu.yield
    }) : () -> ()
    return
  }
}

module attributes {stable_mosaic.version = 14 : i64} {
  func.func @_rescue_body(%arg0: memref<4096x256xf32, #tpu.memory_space<vmem>>, %arg1: memref<64x64xi32, #tpu.memory_space<vmem>>, %arg2: memref<64x16xf32, #tpu.memory_space<vmem>>, %arg3: memref<64x16xf32, #tpu.memory_space<vmem>>, %arg4: memref<64x256xf32, #tpu.memory_space<vmem>>, %arg5: memref<256x256xf32, #tpu.memory_space<vmem>>, %arg6: memref<256x256xf32, #tpu.memory_space<vmem>>, %arg7: memref<1x256xf32, #tpu.memory_space<vmem>>, %arg8: memref<256x512xf32, #tpu.memory_space<vmem>>, %arg9: memref<1x512xf32, #tpu.memory_space<vmem>>, %arg10: memref<1x1x512xf32, #tpu.memory_space<vmem>>, %arg11: memref<1x1x256xf32, #tpu.memory_space<vmem>>, %arg12: memref<1x512xf32, #tpu.memory_space<vmem>>, %arg13: memref<64x2048xi32, #tpu.memory_space<vmem>>, %arg14: memref<1x1xi32, #tpu.memory_space<vmem>>, %arg15: memref<64x1xi32, #tpu.memory_space<vmem>>, %arg16: memref<64x1xf32, #tpu.memory_space<vmem>>, %arg17: memref<64x2048xi32, #tpu.memory_space<vmem>>) attributes {dimension_semantics = [], scalar_prefetch = 0 : i64, scratch_operands = 0 : i64, tpu.core_type = #tpu.core_type<tc>} {
    %get3A = arith.constant 0 : index
    %get3A_0 = arith.constant 0 : index
    %get3A_1 = vector.load %arg0[%get3A, %get3A_0] : memref<4096x256xf32, #tpu.memory_space<vmem>>, vector<4096x256xf32>
    %get3A_2 = arith.constant 0 : index
    %get3A_3 = arith.constant 0 : index
    %get3A_4 = vector.load %arg4[%get3A_2, %get3A_3] : memref<64x256xf32, #tpu.memory_space<vmem>>, vector<64x256xf32>
    %get3A_5 = arith.constant 0 : index
    %get3A_6 = arith.constant 0 : index
    %get3A_7 = vector.load %arg5[%get3A_5, %get3A_6] : memref<256x256xf32, #tpu.memory_space<vmem>>, vector<256x256xf32>
    %dot_general3A = arith.constant dense<0.000000e+00> : vector<64x256xf32>
    %dot_general3A_8 = tpu.matmul %get3A_4, %get3A_7, %dot_general3A {dimension_numbers = #tpu.dot_dimension_numbers<[1], [0], [0], [1], [0, 0, 1, 1], [], []>, precision = #tpu.contract_precision<fp32>, transpose_lhs_hint = false} : vector<64x256xf32>, vector<256x256xf32>, vector<64x256xf32> -> vector<64x256xf32>
    %get3A_9 = arith.constant 0 : index
    %get3A_10 = arith.constant 0 : index
    %get3A_11 = vector.load %arg7[%get3A_9, %get3A_10] : memref<1x256xf32, #tpu.memory_space<vmem>>, vector<1x256xf32>
    %add3A = vector.broadcast %get3A_11 : vector<1x256xf32> to vector<64x256xf32>
    %add3A_12 = arith.addf %dot_general3A_8, %add3A : vector<64x256xf32>
    %get3A_13 = arith.constant 0 : index
    %get3A_14 = arith.constant 0 : index
    %get3A_15 = vector.load %arg6[%get3A_13, %get3A_14] : memref<256x256xf32, #tpu.memory_space<vmem>>, vector<256x256xf32>
    %dot_general3A_16 = arith.constant dense<0.000000e+00> : vector<4096x256xf32>
    %dot_general3A_17 = tpu.matmul %get3A_1, %get3A_15, %dot_general3A_16 {dimension_numbers = #tpu.dot_dimension_numbers<[1], [0], [0], [1], [0, 0, 1, 1], [], []>, precision = #tpu.contract_precision<fp32>, transpose_lhs_hint = false} : vector<4096x256xf32>, vector<256x256xf32>, vector<4096x256xf32> -> vector<4096x256xf32>
    %reshape3A = vector.shape_cast %dot_general3A_17 : vector<4096x256xf32> to vector<64x64x256xf32>
    %broadcast_in_dim3A = vector.shape_cast %add3A_12 : vector<64x256xf32> to vector<64x1x256xf32>
    %add3A_18 = vector.broadcast %broadcast_in_dim3A : vector<64x1x256xf32> to vector<64x64x256xf32>
    %add3A_19 = arith.addf %reshape3A, %add3A_18 : vector<64x64x256xf32>
    %ge3A = arith.constant 0.000000e+00 : f32
    %ge3A_20 = vector.broadcast %ge3A : f32 to vector<64x64x256xf32>
    %ge3A_21 = arith.cmpf oge, %add3A_19, %ge3A_20 : vector<64x64x256xf32>
    %get3A_22 = arith.constant 0 : index
    %get3A_23 = arith.constant 0 : index
    %get3A_24 = arith.constant 0 : index
    %get3A_25 = vector.load %arg11[%get3A_22, %get3A_23, %get3A_24] : memref<1x1x256xf32, #tpu.memory_space<vmem>>, vector<1x1x256xf32>
    %mul3A = vector.broadcast %get3A_25 : vector<1x1x256xf32> to vector<64x64x256xf32>
    %mul3A_26 = arith.mulf %mul3A, %add3A_19 : vector<64x64x256xf32>
    %select_n3A = arith.select %ge3A_21, %add3A_19, %mul3A_26 : vector<64x64x256xi1>, vector<64x64x256xf32>
    %reshape3A_27 = vector.shape_cast %select_n3A : vector<64x64x256xf32> to vector<4096x256xf32>
    %get3A_28 = arith.constant 0 : index
    %get3A_29 = arith.constant 0 : index
    %get3A_30 = vector.load %arg8[%get3A_28, %get3A_29] : memref<256x512xf32, #tpu.memory_space<vmem>>, vector<256x512xf32>
    %dot_general3A_31 = arith.constant dense<0.000000e+00> : vector<4096x512xf32>
    %dot_general3A_32 = tpu.matmul %reshape3A_27, %get3A_30, %dot_general3A_31 {dimension_numbers = #tpu.dot_dimension_numbers<[1], [0], [0], [1], [0, 0, 1, 1], [], []>, precision = #tpu.contract_precision<fp32>, transpose_lhs_hint = false} : vector<4096x256xf32>, vector<256x512xf32>, vector<4096x512xf32> -> vector<4096x512xf32>
    %get3A_33 = arith.constant 0 : index
    %get3A_34 = arith.constant 0 : index
    %get3A_35 = vector.load %arg9[%get3A_33, %get3A_34] : memref<1x512xf32, #tpu.memory_space<vmem>>, vector<1x512xf32>
    %add3A_36 = vector.broadcast %get3A_35 : vector<1x512xf32> to vector<4096x512xf32>
    %add3A_37 = arith.addf %dot_general3A_32, %add3A_36 : vector<4096x512xf32>
    %ge3A_38 = arith.constant 0.000000e+00 : f32
    %ge3A_39 = vector.broadcast %ge3A_38 : f32 to vector<4096x512xf32>
    %ge3A_40 = arith.cmpf oge, %add3A_37, %ge3A_39 : vector<4096x512xf32>
    %get3A_41 = arith.constant 0 : index
    %get3A_42 = arith.constant 0 : index
    %get3A_43 = vector.load %arg12[%get3A_41, %get3A_42] : memref<1x512xf32, #tpu.memory_space<vmem>>, vector<1x512xf32>
    %mul3A_44 = vector.broadcast %get3A_43 : vector<1x512xf32> to vector<4096x512xf32>
    %mul3A_45 = arith.mulf %mul3A_44, %add3A_37 : vector<4096x512xf32>
    %select_n3A_46 = arith.select %ge3A_40, %add3A_37, %mul3A_45 : vector<4096x512xi1>, vector<4096x512xf32>
    %reshape3A_47 = vector.shape_cast %select_n3A_46 : vector<4096x512xf32> to vector<64x64x512xf32>
    %get3A_48 = arith.constant 0 : index
    %get3A_49 = arith.constant 0 : index
    %get3A_50 = arith.constant 0 : index
    %get3A_51 = vector.load %arg10[%get3A_48, %get3A_49, %get3A_50] : memref<1x1x512xf32, #tpu.memory_space<vmem>>, vector<1x1x512xf32>
    %mul3A_52 = vector.broadcast %get3A_51 : vector<1x1x512xf32> to vector<64x64x512xf32>
    %mul3A_53 = arith.mulf %reshape3A_47, %mul3A_52 : vector<64x64x512xf32>
    %reduce_sum3A = arith.constant dense<0.000000e+00> : vector<64x64xf32>
    %reduce_sum3A_54 = vector.multi_reduction <add>, %mul3A_53, %reduce_sum3A [2] : vector<64x64x512xf32> to vector<64x64xf32>
    %reduce_max3A = arith.constant dense<0xFF800000> : vector<64xf32>
    %reduce_max3A_55 = vector.multi_reduction <maximumf>, %reduce_sum3A_54, %reduce_max3A [1] : vector<64x64xf32> to vector<64xf32>
    %broadcast_in_dim3A_56 = vector.shape_cast %reduce_max3A_55 : vector<64xf32> to vector<64x1xf32>
    %broadcast_in_dim3A_57 = arith.constant 2147483647 : i32
    %broadcast_in_dim3A_58 = vector.broadcast %broadcast_in_dim3A_57 : i32 to vector<64x64xi32>
    %ge3A_59 = vector.broadcast %broadcast_in_dim3A_56 : vector<64x1xf32> to vector<64x64xf32>
    %ge3A_60 = arith.cmpf oge, %reduce_sum3A_54, %ge3A_59 : vector<64x64xf32>
    %get3A_61 = arith.constant 0 : index
    %get3A_62 = arith.constant 0 : index
    %get3A_63 = vector.load %arg1[%get3A_61, %get3A_62] : memref<64x64xi32, #tpu.memory_space<vmem>>, vector<64x64xi32>
    %select_n3A_64 = arith.select %ge3A_60, %get3A_63, %broadcast_in_dim3A_58 : vector<64x64xi1>, vector<64x64xi32>
    %reduce_min3A = arith.constant dense<2147483647> : vector<64xi32>
    %reduce_min3A_65 = vector.multi_reduction <minsi>, %select_n3A_64, %reduce_min3A [1] : vector<64x64xi32> to vector<64xi32>
    %broadcast_in_dim3A_66 = vector.shape_cast %reduce_min3A_65 : vector<64xi32> to vector<64x1xi32>
    %swap3A = arith.constant 0 : index
    %swap3A_67 = arith.constant 0 : index
    %swap3A_68 = vector.load %arg15[%swap3A, %swap3A_67] : memref<64x1xi32, #tpu.memory_space<vmem>>, vector<64x1xi32>
    tpu.vector_store %arg15[%swap3A, %swap3A_67], %broadcast_in_dim3A_66 {strides = array<i32>} : memref<64x1xi32, #tpu.memory_space<vmem>>, vector<64x1xi32>,
    %get3A_69 = arith.constant 0 : index
    %get3A_70 = arith.constant 0 : index
    %get3A_71 = vector.load %arg2[%get3A_69, %get3A_70] : memref<64x16xf32, #tpu.memory_space<vmem>>, vector<64x1xf32>
    %sub3A = arith.subf %broadcast_in_dim3A_56, %get3A_71 : vector<64x1xf32>
    %exp3A = math.exp %sub3A : vector<64x1xf32>
    %get3A_72 = arith.constant 0 : index
    %get3A_73 = arith.constant 0 : index
    %get3A_74 = vector.load %arg3[%get3A_72, %get3A_73] : memref<64x16xf32, #tpu.memory_space<vmem>>, vector<64x1xf32>
    %div3A = arith.divf %exp3A, %get3A_74 : vector<64x1xf32>
    %swap3A_75 = arith.constant 0 : index
    %swap3A_76 = arith.constant 0 : index
    %swap3A_77 = vector.load %arg16[%swap3A_75, %swap3A_76] : memref<64x1xf32, #tpu.memory_space<vmem>>, vector<64x1xf32>
    tpu.vector_store %arg16[%swap3A_75, %swap3A_76], %div3A {strides = array<i32>} : memref<64x1xf32, #tpu.memory_space<vmem>>, vector<64x1xf32>,
    %iota3A = tpu.iota {dimensions = array<i32: 1>} : vector<64x2048xi32>
    %eq3A = vector.broadcast %broadcast_in_dim3A_66 : vector<64x1xi32> to vector<64x2048xi32>
    %eq3A_78 = arith.cmpi eq, %iota3A, %eq3A : vector<64x2048xi32>
    %get3A_79 = arith.constant 0 : index
    %get3A_80 = arith.constant 0 : index
    %get3A_81 = vector.load %arg14[%get3A_79, %get3A_80] : memref<1x1xi32, #tpu.memory_space<vmem>>, vector<1x1xi32>
    %get3A_82 = arith.constant 0 : index
    %get3A_83 = arith.constant 0 : index
    %get3A_84 = vector.load %arg13[%get3A_82, %get3A_83] : memref<64x2048xi32, #tpu.memory_space<vmem>>, vector<64x2048xi32>
    %broadcast_in_dim3A_85 = vector.shape_cast %get3A_81 : vector<1x1xi32> to vector<1x1xi32>
    %broadcast_in_dim3A_86 = vector.broadcast %broadcast_in_dim3A_85 : vector<1x1xi32> to vector<64x2048xi32>
    %select_n3A_87 = arith.select %eq3A_78, %broadcast_in_dim3A_86, %get3A_84 : vector<64x2048xi1>, vector<64x2048xi32>
    %swap3A_88 = arith.constant 0 : index
    %swap3A_89 = arith.constant 0 : index
    %swap3A_90 = vector.load %arg17[%swap3A_88, %swap3A_89] : memref<64x2048xi32, #tpu.memory_space<vmem>>, vector<64x2048xi32>
    tpu.vector_store %arg17[%swap3A_88, %swap3A_89], %select_n3A_87 {strides = array<i32>} : memref<64x2048xi32, #tpu.memory_space<vmem>>, vector<64x2048xi32>,
    return
  }
}

module attributes {stable_mosaic.version = 14 : i64} {
  func.func @_score_body(%arg0: i32, %arg1: memref<64x256xf32, #tpu.memory_space<vmem>>, %arg2: memref<256x256xf32, #tpu.memory_space<vmem>>, %arg3: memref<256x256xbf16, #tpu.memory_space<vmem>>, %arg4: memref<1x256xf32, #tpu.memory_space<vmem>>, %arg5: memref<256x512xbf16, #tpu.memory_space<vmem>>, %arg6: memref<1x512xf32, #tpu.memory_space<vmem>>, %arg7: memref<1x1x512xf32, #tpu.memory_space<vmem>>, %arg8: memref<1x1x256xf32, #tpu.memory_space<vmem>>, %arg9: memref<1x512xf32, #tpu.memory_space<vmem>>, %arg10: memref<128x64x256xf32, #tpu.memory_space<vmem>>, %arg11: memref<64x128xf32, #tpu.memory_space<vmem>>) attributes {dimension_semantics = [#tpu.dimension_semantics<arbitrary>], iteration_bounds = array<i64: 16>, scalar_prefetch = 0 : i64, scratch_operands = 0 : i64, tpu.core_type = #tpu.core_type<tc>, window_params = [{pipeline_mode = #tpu.pipeline_mode<synchronous>, transform_indices = @transform_0, window_bounds = array<i64: 64, 256>}, {pipeline_mode = #tpu.pipeline_mode<synchronous>, transform_indices = @transform_1, window_bounds = array<i64: 256, 256>}, {pipeline_mode = #tpu.pipeline_mode<synchronous>, transform_indices = @transform_2, window_bounds = array<i64: 256, 256>}, {pipeline_mode = #tpu.pipeline_mode<synchronous>, transform_indices = @transform_3, window_bounds = array<i64: 1, 256>}, {pipeline_mode = #tpu.pipeline_mode<synchronous>, transform_indices = @transform_4, window_bounds = array<i64: 256, 512>}, {pipeline_mode = #tpu.pipeline_mode<synchronous>, transform_indices = @transform_5, window_bounds = array<i64: 1, 512>}, {pipeline_mode = #tpu.pipeline_mode<synchronous>, transform_indices = @transform_6, window_bounds = array<i64: 1, 1, 512>}, {pipeline_mode = #tpu.pipeline_mode<synchronous>, transform_indices = @transform_7, window_bounds = array<i64: 1, 1, 256>}, {pipeline_mode = #tpu.pipeline_mode<synchronous>, transform_indices = @transform_8, window_bounds = array<i64: 1, 512>}, {transform_indices = @transform_9, window_bounds = array<i64: 128, 64, 256>}, {transform_indices = @transform_10, window_bounds = array<i64: 64, 128>}]} {
    %get3A = arith.constant 0 : index
    %get3A_0 = arith.constant 0 : index
    %get3A_1 = arith.constant 0 : index
    %get3A_2 = vector.load %arg10[%get3A, %get3A_0, %get3A_1] : memref<128x64x256xf32, #tpu.memory_space<vmem>>, vector<128x64x256xf32>
    %reshape3A = vector.shape_cast %get3A_2 : vector<128x64x256xf32> to vector<8192x256xf32>
    %convert_element_type3A = arith.truncf %reshape3A : vector<8192x256xf32> to vector<8192x256xbf16>
    %get3A_3 = arith.constant 0 : index
    %get3A_4 = arith.constant 0 : index
    %get3A_5 = vector.load %arg1[%get3A_3, %get3A_4] : memref<64x256xf32, #tpu.memory_space<vmem>>, vector<64x256xf32>
    %get3A_6 = arith.constant 0 : index
    %get3A_7 = arith.constant 0 : index
    %get3A_8 = vector.load %arg2[%get3A_6, %get3A_7] : memref<256x256xf32, #tpu.memory_space<vmem>>, vector<256x256xf32>
    %dot_general3A = arith.constant dense<0.000000e+00> : vector<64x256xf32>
    %dot_general3A_9 = tpu.matmul %get3A_5, %get3A_8, %dot_general3A {dimension_numbers = #tpu.dot_dimension_numbers<[1], [0], [0], [1], [0, 0, 1, 1], [], []>, precision = #tpu.contract_precision<fp32>, transpose_lhs_hint = false} : vector<64x256xf32>, vector<256x256xf32>, vector<64x256xf32> -> vector<64x256xf32>
    %get3A_10 = arith.constant 0 : index
    %get3A_11 = arith.constant 0 : index
    %get3A_12 = vector.load %arg4[%get3A_10, %get3A_11] : memref<1x256xf32, #tpu.memory_space<vmem>>, vector<1x256xf32>
    %add3A = vector.broadcast %get3A_12 : vector<1x256xf32> to vector<64x256xf32>
    %add3A_13 = arith.addf %dot_general3A_9, %add3A : vector<64x256xf32>
    %get3A_14 = arith.constant 0 : index
    %get3A_15 = arith.constant 0 : index
    %get3A_16 = vector.load %arg3[%get3A_14, %get3A_15] : memref<256x256xbf16, #tpu.memory_space<vmem>>, vector<256x256xbf16>
    %dot_general3A_17 = arith.constant dense<0.000000e+00> : vector<8192x256xf32>
    %dot_general3A_18 = tpu.matmul %convert_element_type3A, %get3A_16, %dot_general3A_17 {dimension_numbers = #tpu.dot_dimension_numbers<[1], [0], [0], [1], [0, 0, 1, 1], [], []>, transpose_lhs_hint = false} : vector<8192x256xbf16>, vector<256x256xbf16>, vector<8192x256xf32> -> vector<8192x256xf32>
    %reshape3A_19 = vector.shape_cast %dot_general3A_18 : vector<8192x256xf32> to vector<128x64x256xf32>
    %broadcast_in_dim3A = vector.shape_cast %add3A_13 : vector<64x256xf32> to vector<1x64x256xf32>
    %add3A_20 = vector.broadcast %broadcast_in_dim3A : vector<1x64x256xf32> to vector<128x64x256xf32>
    %add3A_21 = arith.addf %reshape3A_19, %add3A_20 : vector<128x64x256xf32>
    %ge3A = arith.constant 0.000000e+00 : f32
    %ge3A_22 = vector.broadcast %ge3A : f32 to vector<128x64x256xf32>
    %ge3A_23 = arith.cmpf oge, %add3A_21, %ge3A_22 : vector<128x64x256xf32>
    %get3A_24 = arith.constant 0 : index
    %get3A_25 = arith.constant 0 : index
    %get3A_26 = arith.constant 0 : index
    %get3A_27 = vector.load %arg8[%get3A_24, %get3A_25, %get3A_26] : memref<1x1x256xf32, #tpu.memory_space<vmem>>, vector<1x1x256xf32>
    %mul3A = vector.broadcast %get3A_27 : vector<1x1x256xf32> to vector<128x64x256xf32>
    %mul3A_28 = arith.mulf %mul3A, %add3A_21 : vector<128x64x256xf32>
    %select_n3A = arith.select %ge3A_23, %add3A_21, %mul3A_28 : vector<128x64x256xi1>, vector<128x64x256xf32>
    %reshape3A_29 = vector.shape_cast %select_n3A : vector<128x64x256xf32> to vector<8192x256xf32>
    %convert_element_type3A_30 = arith.truncf %reshape3A_29 : vector<8192x256xf32> to vector<8192x256xbf16>
    %get3A_31 = arith.constant 0 : index
    %get3A_32 = arith.constant 0 : index
    %get3A_33 = vector.load %arg5[%get3A_31, %get3A_32] : memref<256x512xbf16, #tpu.memory_space<vmem>>, vector<256x512xbf16>
    %dot_general3A_34 = arith.constant dense<0.000000e+00> : vector<8192x512xf32>
    %dot_general3A_35 = tpu.matmul %convert_element_type3A_30, %get3A_33, %dot_general3A_34 {dimension_numbers = #tpu.dot_dimension_numbers<[1], [0], [0], [1], [0, 0, 1, 1], [], []>, transpose_lhs_hint = false} : vector<8192x256xbf16>, vector<256x512xbf16>, vector<8192x512xf32> -> vector<8192x512xf32>
    %get3A_36 = arith.constant 0 : index
    %get3A_37 = arith.constant 0 : index
    %get3A_38 = vector.load %arg6[%get3A_36, %get3A_37] : memref<1x512xf32, #tpu.memory_space<vmem>>, vector<1x512xf32>
    %add3A_39 = vector.broadcast %get3A_38 : vector<1x512xf32> to vector<8192x512xf32>
    %add3A_40 = arith.addf %dot_general3A_35, %add3A_39 : vector<8192x512xf32>
    %ge3A_41 = arith.constant 0.000000e+00 : f32
    %ge3A_42 = vector.broadcast %ge3A_41 : f32 to vector<8192x512xf32>
    %ge3A_43 = arith.cmpf oge, %add3A_40, %ge3A_42 : vector<8192x512xf32>
    %get3A_44 = arith.constant 0 : index
    %get3A_45 = arith.constant 0 : index
    %get3A_46 = vector.load %arg9[%get3A_44, %get3A_45] : memref<1x512xf32, #tpu.memory_space<vmem>>, vector<1x512xf32>
    %mul3A_47 = vector.broadcast %get3A_46 : vector<1x512xf32> to vector<8192x512xf32>
    %mul3A_48 = arith.mulf %mul3A_47, %add3A_40 : vector<8192x512xf32>
    %select_n3A_49 = arith.select %ge3A_43, %add3A_40, %mul3A_48 : vector<8192x512xi1>, vector<8192x512xf32>
    %reshape3A_50 = vector.shape_cast %select_n3A_49 : vector<8192x512xf32> to vector<128x64x512xf32>
    %get3A_51 = arith.constant 0 : index
    %get3A_52 = arith.constant 0 : index
    %get3A_53 = arith.constant 0 : index
    %get3A_54 = vector.load %arg7[%get3A_51, %get3A_52, %get3A_53] : memref<1x1x512xf32, #tpu.memory_space<vmem>>, vector<1x1x512xf32>
    %mul3A_55 = vector.broadcast %get3A_54 : vector<1x1x512xf32> to vector<128x64x512xf32>
    %mul3A_56 = arith.mulf %reshape3A_50, %mul3A_55 : vector<128x64x512xf32>
    %reduce_sum3A = arith.constant dense<0.000000e+00> : vector<128x64xf32>
    %reduce_sum3A_57 = vector.multi_reduction <add>, %mul3A_56, %reduce_sum3A [2] : vector<128x64x512xf32> to vector<128x64xf32>
    %transpose3A = tpu.transpose %reduce_sum3A_57, [1, 0] : vector<128x64xf32> -> vector<64x128xf32>
    %swap3A = arith.constant 0 : index
    %swap3A_58 = arith.constant 0 : index
    %swap3A_59 = vector.load %arg11[%swap3A, %swap3A_58] : memref<64x128xf32, #tpu.memory_space<vmem>>, vector<64x128xf32>
    tpu.vector_store %arg11[%swap3A, %swap3A_58], %transpose3A {strides = array<i32>} : memref<64x128xf32, #tpu.memory_space<vmem>>, vector<64x128xf32>,
    return
  }
  func.func @transform_0(%arg0: i32) -> (i32, i32) {
    %c0_i32 = arith.constant 0 : i32
    %c0_i32_0 = arith.constant 0 : i32
    %c0_i32_1 = arith.constant 0 : i32
    return %c0_i32, %c0_i32_0 : i32, i32
  }
  func.func @transform_1(%arg0: i32) -> (i32, i32) {
    %c0_i32 = arith.constant 0 : i32
    %c0_i32_0 = arith.constant 0 : i32
    %c0_i32_1 = arith.constant 0 : i32
    return %c0_i32, %c0_i32_0 : i32, i32
  }
  func.func @transform_2(%arg0: i32) -> (i32, i32) {
    %c0_i32 = arith.constant 0 : i32
    %c0_i32_0 = arith.constant 0 : i32
    %c0_i32_1 = arith.constant 0 : i32
    return %c0_i32, %c0_i32_0 : i32, i32
  }
  func.func @transform_3(%arg0: i32) -> (i32, i32) {
    %c0_i32 = arith.constant 0 : i32
    %c0_i32_0 = arith.constant 0 : i32
    %c0_i32_1 = arith.constant 0 : i32
    return %c0_i32, %c0_i32_0 : i32, i32
  }
  func.func @transform_4(%arg0: i32) -> (i32, i32) {
    %c0_i32 = arith.constant 0 : i32
    %c0_i32_0 = arith.constant 0 : i32
    %c0_i32_1 = arith.constant 0 : i32
    return %c0_i32, %c0_i32_0 : i32, i32
  }
  func.func @transform_5(%arg0: i32) -> (i32, i32) {
    %c0_i32 = arith.constant 0 : i32
    %c0_i32_0 = arith.constant 0 : i32
    %c0_i32_1 = arith.constant 0 : i32
    return %c0_i32, %c0_i32_0 : i32, i32
  }
  func.func @transform_6(%arg0: i32) -> (i32, i32, i32) {
    %c0_i32 = arith.constant 0 : i32
    %c0_i32_0 = arith.constant 0 : i32
    %c0_i32_1 = arith.constant 0 : i32
    %c0_i32_2 = arith.constant 0 : i32
    return %c0_i32, %c0_i32_0, %c0_i32_1 : i32, i32, i32
  }
  func.func @transform_7(%arg0: i32) -> (i32, i32, i32) {
    %c0_i32 = arith.constant 0 : i32
    %c0_i32_0 = arith.constant 0 : i32
    %c0_i32_1 = arith.constant 0 : i32
    %c0_i32_2 = arith.constant 0 : i32
    return %c0_i32, %c0_i32_0, %c0_i32_1 : i32, i32, i32
  }
  func.func @transform_8(%arg0: i32) -> (i32, i32) {
    %c0_i32 = arith.constant 0 : i32
    %c0_i32_0 = arith.constant 0 : i32
    %c0_i32_1 = arith.constant 0 : i32
    return %c0_i32, %c0_i32_0 : i32, i32
  }
  func.func @transform_9(%arg0: i32) -> (i32, i32, i32) {
    %c0_i32 = arith.constant 0 : i32
    %c0_i32_0 = arith.constant 0 : i32
    %c0_i32_1 = arith.constant 0 : i32
    return %arg0, %c0_i32, %c0_i32_0 : i32, i32, i32
  }
  func.func @transform_10(%arg0: i32) -> (i32, i32) {
    %c0_i32 = arith.constant 0 : i32
    %c0_i32_0 = arith.constant 0 : i32
    return %c0_i32, %arg0 : i32, i32
  }
}

</mosaic_0001>

<sc_bundles>
// kernel: kernel.5.cloned.1.call-start
scs
__scs_entry_jumppad:
0x0: {  	(pc) =	sbr.rel $0x88, $3  }
0x1: {  	(tag) =	ssettag $0x0;
	lr =	simm.s32 $0x1  }
0x2: {  	[smem:$0x3F96] =	sst lr;
	_ =	strace $0xD0000000  }
0x3: {  	_ = 	snop  }
0x4: {  	_ = 	snop  }
0x5: {  	_ = 	snop  }
0x6: {  	_ = 	snop  }
0x7: {  	_ = 	snop  }
__scs_overlays_trampoline_lowered:
0x8: {  	[smem:$0x3FA5] =	sst s0  }
0x9: {  	[smem:$0x3FA6] =	sst s1  }
0xa: {  	[smem:$0x3FA7] =	sst s2  }
0xb: {  	[smem:$0x3FA8] =	sst s3  }
0xc: {  	[smem:$0x3FA9] =	sst s4  }
0xd: {  	[smem:$0x3FAA] =	sst s5  }
0xe: {  	[smem:$0x3FAB] =	sst s6  }
0xf: {  	[smem:$0x3FAC] =	sst s7  }
0x10: {  	[smem:$0x3FAD] =	sst s8  }
0x11: {  	[smem:$0x3FAE] =	sst s9;
	s0 =	simm.s32 @!p0 $0x0  }
0x12: {  	s1 =	sld [smem:$0x3F94];
	s0 =	simm.s32 @p0 $0x1  }
0x13: {  	[smem:$0x3FAF] =	sst s0;
	s0 =	simm.s32 @!p1 $0x0  }
0x14: {  	s2 =	sld [smem:$0x3F93];
	s0 =	simm.s32 @p1 $0x1  }
0x15: {  	[smem:$0x3FB0] =	sst s0;
	s0 =	simm.s32 @!p2 $0x0  }
0x16: {  	s3 =	sld [smem:$0x3FDB];
	s0 =	simm.s32 @p2 $0x1  }
0x17: {  	s4 =	simm.s32 $0x1BF5;
	[smem:$0x3FB2] =	sst s0  }
0x18: {  	s0 =	sld [smem:$0x3F95];
	_ =	swait.ge [sflag:s4], $0x0  }
0x19: {  	s7 =	sld [smem:$0x3F96]  }
0x1a: {  	s8 =	sadd.s32 $0xFFFFE003, lr  }
0x1b: {  	s9 =	sadd.s32 $0xFFFFFEF7, lr;
	s5 =	simm.s32 $0xFFFFFFFF;
	p2 =	slt.u32 s8, $0xFFFFF086  }
0x1c: {  	p1 =	slt.u32 s9, $0xF7A;
	s5 =	simm.s32 @!p2 $0x0  }
0x1d: {  	s5 =	simm.s32 @p1 $0x1;
	p0 =	seq.s32 s7, s2  }
0x1e: {  	s7 =	smul.u32 @!p0 $0xF7A, s2;
	p2 =	seq.s32 @!p0 s5, $0x0  }
0x1f: {  	s9 =	smul.u32 $0xF7A, s1;
	s8 =	simm.s32 @!p0 $0x1BF5;
	p2 =	por !p2, p0  }
0x20: {  	[sflag:s8] =	ssyncset.s32 @!p0 $0xFFFFF086;
	s6 =	sadd.s32 @!p0 s3, s7;
	s7 =	simm.s32 @!p0 $0x108  }
0x21: {  	s3 =	sadd.s32 s3, s9;
	s6 =	sadd.s32 @!p0 $0x88, s6;
	s7 =	simm.s32 @p2 $0x1082  }
0x22: {  	[simem:s7], [sflag:s8] =	dma.local @!p0 [hbm:s6], $0xF7A  }
0x23: {  	s9 =	sor.u32 $0xD0000000, s2;
	s6 =	simm.s32 $0x108;
	_ =	swait.ge @!p0 [sflag:s8], $0x0  }
0x24: {  	s3 =	sadd.s32 $0x88, s3;
	s6 =	simm.s32 @!p1 $0x1082;
	[sflag:s4] =	ssyncset.s32 $0xFFFFF086  }
0x25: {  	[simem:s6], [sflag:s4] =	dma.local [hbm:s3], $0xF7A  }
0x26: {  	[smem:$0x3F96] =	sst s1;
	(tag) =	ssettag s2;
	_ =	strace s9  }
0x27: {  	s1 =	sld [smem:$0x3FA6]  }
0x28: {  	s2 =	sld [smem:$0x3FA7]  }
0x29: {  	s4 =	sld [smem:$0x3FA9]  }
0x2a: {  	p0 =	seq.s32 s5, $0x0;
	s5 =	sld [smem:$0x3FAA]  }
0x2b: {  	s6 =	sld [smem:$0x3FAB]  }
0x2c: {  	s7 =	sld [smem:$0x3FAC]  }
0x2d: {  	s3 =	simm.s32 $0x108;
	s8 =	sld [smem:$0x3FAD]  }
0x2e: {  	s3 =	simm.s32 @!p0 $0x1082;
	s9 =	sld [smem:$0x3FAE]  }
0x2f: {  	lr =	sadd.s32 s0, s3;
	s0 =	sld [smem:$0x3FA5]  }
0x30: {  	s3 =	sld [smem:$0x3FA8]  }
0x31: {  	[smem:$0x3FB1] =	sst s10  }
0x32: {  	s10 =	sld [smem:$0x3FAF];
	_ =	sdelay $0x3  }
0x33: {  	p0 =	seq.s32 s10, $0x1;
	s10 =	sld [smem:$0x3FB1];
	_ =	sdelay $0x3  }
0x34: {  	[smem:$0x3FB1] =	sst s10  }
0x35: {  	s10 =	sld [smem:$0x3FB0];
	_ =	sdelay $0x3  }
0x36: {  	p1 =	seq.s32 s10, $0x1;
	s10 =	sld [smem:$0x3FB1];
	_ =	sdelay $0x3  }
0x37: {  	[smem:$0x3FB1] =	sst s10  }
0x38: {  	s10 =	sld [smem:$0x3FB2]  }
0x39: {  	_ = 	snop;
	(pc) =	sbr.ind lr, $3  }
0x3a: {  	_ = 	snop  }
0x3b: {  	_ = 	snop  }
0x3c: {  	p2 =	seq.s32 s10, $0x1;
	s10 =	sld [smem:$0x3FB1]  }
0x3d: {  	_ =	shalt  }
0x3e: {  	_ =	shalt  }
0x3f: {  	_ =	shalt  }
0x40: {  	_ =	shalt  }
0x41: {  	_ =	shalt  }
0x42: {  	_ =	shalt  }
0x43: {  	_ =	shalt  }
0x44: {  	_ =	shalt  }
0x45: {  	_ =	shalt  }
0x46: {  	_ =	shalt  }
0x47: {  	_ =	shalt  }
0x48: {  	_ =	shalt  }
0x49: {  	_ =	shalt  }
0x4a: {  	_ =	shalt  }
0x4b: {  	_ =	shalt  }
0x4c: {  	_ =	shalt  }
0x4d: {  	_ =	shalt  }
0x4e: {  	_ =	shalt  }
0x4f: {  	_ =	shalt  }
0x50: {  	_ =	shalt  }
0x51: {  	_ =	shalt  }
0x52: {  	_ =	shalt  }
0x53: {  	_ =	shalt  }
0x54: {  	_ =	shalt  }
0x55: {  	_ =	shalt  }
0x56: {  	_ =	shalt  }
0x57: {  	_ =	shalt  }
0x58: {  	_ =	shalt  }
0x59: {  	_ =	shalt  }
0x5a: {  	_ =	shalt  }
0x5b: {  	_ =	shalt  }
0x5c: {  	_ =	shalt  }
0x5d: {  	_ =	shalt  }
0x5e: {  	_ =	shalt  }
0x5f: {  	_ =	shalt  }
0x60: {  	_ =	shalt  }
0x61: {  	_ =	shalt  }
0x62: {  	_ =	shalt  }
0x63: {  	_ =	shalt  }
0x64: {  	_ =	shalt  }
0x65: {  	_ =	shalt  }
0x66: {  	_ =	shalt  }
0x67: {  	_ =	shalt  }
0x68: {  	_ =	shalt  }
0x69: {  	_ =	shalt  }
0x6a: {  	_ =	shalt  }
0x6b: {  	_ =	shalt  }
0x6c: {  	_ =	shalt  }
0x6d: {  	_ =	shalt  }
0x6e: {  	_ =	shalt  }
0x6f: {  	_ =	shalt  }
0x70: {  	_ =	shalt  }
0x71: {  	_ =	shalt  }
0x72: {  	_ =	shalt  }
0x73: {  	_ =	shalt  }
0x74: {  	_ =	shalt  }
0x75: {  	_ =	shalt  }
0x76: {  	_ =	shalt  }
0x77: {  	_ =	shalt  }
0x78: {  	_ =	shalt  }
0x79: {  	_ =	shalt  }
0x7a: {  	_ =	shalt  }
0x7b: {  	_ =	shalt  }
0x7c: {  	_ =	shalt  }
0x7d: {  	_ =	shalt  }
0x7e: {  	_ =	shalt  }
0x7f: {  	_ =	shalt  }
0x80: {  	_ =	shalt  }
0x81: {  	_ =	shalt  }
0x82: {  	_ =	shalt  }
0x83: {  	_ =	shalt  }
0x84: {  	_ =	shalt  }
0x85: {  	_ =	shalt  }
0x86: {  	_ =	shalt  }
0x87: {  	_ =	shalt  }
.Lfunc_end0:
.L_simem_size_0:
called_computation_lowered:
.L_overlay_start_0:
0x88: {  	s2 =	sld [smem:$0x3FD9]  }
0x89: {  	s3 =	sld [smem:$0x3FFE];
	_ =	sdelay $0x1  }
0x8a: {  	s1 =	srdreg.scid  }
0x8b: {  	s0 =	sand.u32 $0x1, s1  }
0x8c: {  	s14 =	sshll.u32 s0, $0xA;
	s2 =	sadd.s32 s3, s2  }
0x8d: {  	s2 =	sadd.s32 s2, s14  }
0x8e: {  	[smem:$0x3FBD] =	sst s2  }
0x8f: {  	_ = 	snop  }
0x90: {  	s2 =	sld [smem:$0x3FD0];
	_ =	sdelay $0x1  }
0x91: {  	s15 =	sld [smem:$0x3FC9]  }
0x92: {  	s5 =	simm.s32 $0xA;
	s6 =	simm.s32 $0x10;
	s4 =	sld [smem:$0x3FC7]  }
0x93: {  	[smem:s6], [sflag:s5] =	dma.local [hbm:s2], $0x1  }
0x94: {  	_ =	swait.eq [sflag:s5], $0x1  }
0x95: {  	[sflag:s5] =	ssyncset.done $0x0  }
0x96: {  	[sflag:s5] =	ssyncadd.s32 $0xFFFFFFFF  }
0x97: {  	s16 =	sld [smem:$0x12];
	(tm) =	ssettm $0x1  }
0x98: {  	s17 =	sld [smem:$0x3FFB];
	_ =	sdelay $0x3  }
0x99: {  	_ =	strace s17  }
0x9a: {  	s5 =	sld [smem:$0x3FFC];
	_ =	sdelay $0x3  }
0x9b: {  	_ =	strace s5  }
0x9c: {  	s5 =	sld [smem:$0x3FFD];
	_ =	sdelay $0x3  }
0x9d: {  	_ =	strace s5  }
0x9e: {  	_ =	strace $0x8FFFFFFF  }
0x9f: {  	s18 =	sld [smem:$0x3FDB];
	_ =	sdelay $0x1  }
0xa0: {  	s19 =	simm.s32 $_scs_section_size  }
0xa1: {  	s7 =	simm.s32 $_size__tile_overlayer_lowered;
	s8 =	simm.s32 $_tile_overlayer_lowered  }
0xa2: {  	s22 =	simm.s32 $0x1BFF;
	s21 =	sshll.u32 s8, $0x1;
	s5 =	sadd.s32 s19, s18  }
0xa3: {  	s9 =	simm.s32 $0x0;
	s20 =	sshll.u32 s7, $0x1;
	s7 =	sadd.s32 s21, s5  }
0xa4: {  	[timem:s9], [sflag:s22] =	dma.local [hbm:s7], s20  }
0xa5: {  	_ =	swait.ge [sflag:s22], s20  }
0xa6: {  	s6 =	ssub.s32 $0x0, s20;
	[sflag:s22] =	ssyncset.done $0x0  }
0xa7: {  	[sflag:s22] =	ssyncadd.s32 s6;
	_ =	sdelay $0x1  }
0xa8: {  	s23 =	simm.s32 $0x1B8B  }
0xa9: {  	_ =	swait.ge [sflag:s23], $0x1  }
0xaa: {  	[sflag:s23] =	ssyncset.done $0x0  }
0xab: {  	s25 =	simm.s32 $0x1B8E;
	s24 =	sld [smem:$0x3FFE];
	[sflag:s23] =	ssyncadd.s32 $0xFFFFFFFF  }
0xac: {  	s26 =	simm.s32 $execute0_lowered;
	[smem:$0x3FD2] =	sst s25  }
0xad: {  	s7 =	sshll.u32 s26, $0x1;
	_ =	strace $0x80000046;
	[dreg:$0x1] =	wrdreg $0xFFFFFFFF  }
0xae: {  	s28 =	simm.s32 $_size_execute0_lowered;
	s5 =	sadd.s32 s5, s7;
	[dreg:$0x0] =	wrdreg $0x0  }
0xaf: {  	s7 =	sshll.u32 s28, $0x1;
	[dreg:$0x2] =	wrdreg s5  }
0xb0: {  	[dreg:$0x3] =	wrdreg s7  }
0xb1: {  	[dreg:$0x4] =	wrdreg $0xC0  }
0xb2: {  	_ =	task [dreg:s9], $0x5FFFF  }
0xb3: {  	[dreg:$0x1] =	wrdreg $0xFFFFFFFF  }
0xb4: {  	[dreg:$0x0] =	wrdreg $0x60  }
0xb5: {  	[dreg:$0x2] =	wrdreg s16  }
0xb6: {  	[dreg:$0x3] =	wrdreg s4  }
0xb7: {  	[dreg:$0x4] =	wrdreg s15  }
0xb8: {  	[dreg:$0x5] =	wrdreg s24  }
0xb9: {  	[dreg:$0x6] =	wrdreg $0x9  }
0xba: {  	_ =	task.clear_ibuf [dreg:s9], $0x7FFFF;
	_ =	strace $0x90000046  }
0xbb: {  	s29 =	simm.s32 $0x9;
	_ =	strace $0x80000048  }
0xbc: {  	_ =	swait.ge [sflag:s29], $0x1  }
0xbd: {  	[sflag:s29] =	ssyncadd.s32 $0xFFFFFFFF  }
0xbe: {  	_ =	strace $0x90000048  }
0xbf: {  	_ =	sfence  }
0xc0: {  	s30 =	sld [smem:$0x0];
	_ =	sdelay $0x2  }
0xc1: {  	s31 =	sshll.u32 s1, $0xD;
	s1 =	sshrl.u32 s1, $0x2  }
0xc2: {  	s3 =	sand.u32 $0x4000, s31;
	s1 =	sadd.s32 s1, s30  }
0xc3: {  	s0 =	sor.u32 s3, s0;
	s1 =	sshll.u32 s1, $0x11  }
0xc4: {  	s0 =	sor.u32 s1, s0  }
0xc5: {  	s0 =	sadd.s32 $0x8F2B, s0  }
0xc6: {  	[sflag:s0] =	ssyncadd.remote.s32 $0x1  }
0xc7: {  	_ =	sfence.sel $0xFFFF  }
0xc8: {  	[dreg:$0x0] =	wrdreg $0xFFFFFFFF;
	(pc) =	sbr.abs _section_cstart, $3  }
0xc9: {  	[dreg:$0x1] =	wrdreg $0xFFFFFFFF  }
0xca: {  	_ =	task.clear_ibuf [dreg:s9], $0x2FFFF;
	_ =	strace $0x9FFFFFFF  }
0xcb: {  	(tm) =	ssettm $0x7FFFFFFF  }
tec
execute0_lowered:
.L_overlay_start_1:
0x0: {  	(tag) =	ssettag $0x1  }
0x1: {  	s0 =	rddreg [dreg:$0x0]  }
0x2: {  	s3 =	rddreg [dreg:$0x1]  }
0x3: {  	s1 =	rddreg [dreg:$0x2]  }
0x4: {  	s4 =	rddreg [dreg:$0x3];
	s2 =	simm.s32 $0x0;
	s9 =	srdreg.scid  }
0x5: {  	s15 =	stileid.u32;
	s28 =	simm.s32 $0x1800;
	s29 =	simm.s32 $0x6100  }
0x6: {  	[smem:$0x7FF] =	sst s2;
	s5 =	sadd.s32 $0x29E00, s4;
	s6 =	sadd.s32 $0x2A200, s4  }
0x7: {  	s7 =	sadd.s32 $0x8E00, s4;
	s8 =	sadd.s32 $0x9200, s4;
	s10 =	sadd.s32 $0x9600, s4  }
0x8: {  	s9 =	sand.u32 $0x1, s9;
	s11 =	sadd.s32 $0x9A00, s4;
	s13 =	sshll.u32 s15, $0x1  }
0x9: {  	s4 =	sadd.s32 $0x9E00, s4;
	s26 =	sshrl.u32 s15, $0x1;
	_ =	strace $0x80000047  }
0xa: {  	s12 =	ssub.s32 $0x2, s9;
	s9 =	sor.u32 s9, s13;
	s15 =	sshll.u32 s26, $0xE  }
0xb: {  	s13 =	sshll.u32 s26, $0xA;
	s14 =	sshrl.u32 s12, $0x1;
	s17 =	sshll.u32 s9, $0x8  }
0xc: {  	s30 =	sshll.u32 s9, $0x1;
	s31 =	sshllo.u32 s9, $0x1;
	s9 =	sshll.u32 s9, $0xC  }
0xd: {  	s12 =	ssub.s32 s12, s14;
	s14 =	sand.u32 $0x300, s17;
	s17 =	sshll.u32 s31, $0x7  }
0xe: {  	s9 =	sadd.s32 s4, s9;
	s23 =	sshll.u32 s31, $0xB;
	s16 =	sor.u32 s15, s14  }
0xf: {  	v0 =	vmov s30;
	v1 =	vmov s31;
	s30 =	simm.s32 $0x6180;
	s31 =	simm.s32 $0x2100;
	s16 =	sshrl.u32 s16, $0x3  }
0x10: {  	s14 =	sor.u32 s13, s14;
	[dreg:$0x9] =	wrdreg s9;
	s18 =	sadd.s32 s0, s16  }
0x11: {  	s14 =	sshrl.u32 s14, $0x3;
	s16 =	sadd.s32 s3, s16;
	[dreg:$0x5] =	wrdreg s18  }
0x12: {  	s17 =	sand.u32 $0x380, s17;
	s19 =	sadd.s32 s6, s14;
	[dreg:$0x6] =	wrdreg s16  }
0x13: {  	s9 =	simm.s32 $0x1;
	s20 =	sadd.s32 s7, s14;
	[dreg:$0x8] =	wrdreg s19  }
0x14: {  	s15 =	sor.u32 s15, s17;
	s24 =	sadd.s32 s8, s14;
	[dreg:$0xa] =	wrdreg s20  }
0x15: {  	s22 =	sor.u32 s13, s17;
	s25 =	sadd.s32 s10, s14;
	[dreg:$0xd] =	wrdreg s24  }
0x16: {  	s15 =	sshrl.u32 s15, $0x3;
	s26 =	sadd.s32 s11, s14;
	[dreg:$0xf] =	wrdreg s25  }
0x17: {  	s18 =	sadd.s32 s5, s14;
	s0 =	sadd.s32 s0, s15;
	[dreg:$0x10] =	wrdreg s26  }
0x18: {  	s21 =	sadd.s32 s3, s15;
	s3 =	sadd.s32 s4, s23;
	[dreg:$0x7] =	wrdreg s18  }
0x19: {  	s23 =	simm.s32 $0x80;
	s24 =	simm.s32 $0x400;
	[dreg:$0xb] =	wrdreg s0  }
0x1a: {  	s25 =	simm.s32 $0x2;
	s26 =	simm.s32 $0x800;
	[dreg:$0xc] =	wrdreg s21  }
0x1b: {  	s4 =	simm.s32 $0x3900;
	s0 =	sshrl.u32 s22, $0x3;
	[dreg:$0xe] =	wrdreg s3  }
0x1c: {  	s22 =	smax.u32 s12, $0x1;
	s3 =	simm.s32 $0x3100;
	s16 =	sadd.s32 s5, s0  }
0x1d: {  	s17 =	sadd.s32 s6, s0;
	s18 =	sadd.s32 s7, s0;
	s19 =	sadd.s32 s8, s0  }
0x1e: {  	v7 =	vlaneseq.u32;
	v4 =	vimm.s32 $0x0;
	vm0 =	vmmov $0xffff;
	s20 =	sadd.s32 s10, s0;
	s21 =	sadd.s32 s11, s0;
	s0 =	simm.s32 $0x2900  }
0x1f: {  	v6 =	vshrl.u32 v7, $0x3;
	v5 =	vand.u32 $0x7, v7;
	v7 =	vor.u32 $0x8, v7;
	s5 =	simm.s32 $0x4100;
	s6 =	simm.s32 $0x4900;
	s7 =	simm.s32 $0x5100  }
0x20: {  	v6 =	vmul.u32 $0x8, v6;
	v2 =	vand.u32 $0x6, v0;
	v3 =	vand.u32 $0x7, v1;
	s8 =	simm.s32 $0x5900;
	s10 =	simm.s32 $0x6200;
	s11 =	simm.s32 $0x0  }
.LBB2_1:
0x21: {  	s12 =	rddreg [dreg:$0x5]  }
0x22: {  	[tilespmem:s2], [sflag:$0x2] =	stream.strided.gather [hbm4b:s12+s23], $0x800, s24, s23, $0x38;
	[tilespmem:$0x6280] =	vst v63  }
0x23: {  	_ =	swait.ge [sflag:s25], $0x800  }
0x24: {  	[sflag:s25] =	ssyncset.done $0x0  }
0x25: {  	s15 =	rddreg [dreg:$0x6];
	[sflag:s25] =	ssyncadd.s32 $0xFFFFF800  }
0x26: {  	[tilespmem:s26], [sflag:$0x2] =	stream.strided.gather [hbm4b:s15+s23], $0x800, s24, s23, $0x38;
	[tilespmem:$0x6280] =	vst v63  }
0x27: {  	_ =	swait.ge [sflag:s25], $0x800  }
0x28: {  	[sflag:s25] =	ssyncset.done $0x0  }
0x29: {  	s13 =	simm.s32 $0x0;
	[sflag:s25] =	ssyncadd.s32 $0xFFFFF800  }
0x2a: {  	v10 =	vld [tilespmem:s13+$0x800];
	_ =	sdelay $0x7  }
0x2b: {  	v8 =	vimm.f32 $-Inf;
	v9 =	vimm.f32 $+Inf;
	s14 =	simm.s32 $0x80;
	s12 =	simm.s32 $0x10;
	v10 =	vld.idx.msk [tilespmem:v10+s2+$0x0], $0xffff  }
.LBB2_2:
0x2c: {  	p0 =	sne.s32 s14, $0x1FC0;
	v11 =	vld [tilespmem:s12+$0x800];
	_ =	sdelay $0x3  }
.Ltmp0:
0x2d: {  	(pc) =	sbr.rel @p0 .LBB2_2-.Ltmp0, $2  }
0x2e: {  	v8 =	vmax.f32 v8, v10;
	v9 =	vmin.f32 v9, v10;
	[tilespmem:s13+$0x1000] =	vst v10;
	s13 =	smov.u32 s12;
	_ =	sdelay $0x2  }
0x2f: {  	s12 =	sshra.s32 s14, $0x2;
	s14 =	sadd.s32 $0x40, s14;
	v10 =	vld.idx.msk [tilespmem:v11+s2+$0x0], $0xffff  }
0x30: {  	v11 =	vld [tilespmem:s12+$0x800];
	_ =	sdelay $0x6  }
0x31: {  	[tilespmem:s13+$0x1000] =	vst v10  }
0x32: {  	v11 =	vld.idx.msk [tilespmem:v11+s2+$0x0], $0xffff;
	_ =	sdelay $0x3  }
0x33: {  	v8 =	vmax.f32 v8, v10  }
0x34: {  	v9 =	vmin.f32 v9, v10;
	v8 =	vmax.f32 v8, v11  }
0x35: {  	v9 =	vmin.f32 v9, v11;
	(xrf0) =	vmax.scan.msk.f32 $0xffff, v8  }
0x36: {  	(xrf0) =	vmin.scan.msk.f32 $0xffff, v9;
	_ =	sdelay $0x4  }
0x37: {  	v8, _, _ =	vpop (xrf0)  }
0x38: {  	(v2sf) =	vpush v8, $0xF;
	v9, _, _ =	vpop (xrf0)  }
0x39: {  	(v2sf) =	vpush v9, $0xF;
	_ =	sdelay $0x7  }
0x3a: {  	[tilespmem:s12+$0x1000] =	vst v11  }
0x3b: {  	v10 =	vld [tilespmem:$0x810]  }
0x3c: {  	v11 =	vld [tilespmem:$0x820]  }
0x3d: {  	v12 =	vld [tilespmem:$0x830]  }
0x3e: {  	v9 =	vld [tilespmem:$0x800];
	_ =	sdelay $0x1  }
0x3f: {  	[tilespmem:$0x1810] =	vst v10;
	s12 =	spop (v2sf)  }
0x40: {  	[tilespmem:$0x1820] =	vst v11;
	s15 =	spop (v2sf)  }
0x41: {  	[tilespmem:$0x1830] =	vst v12;
	s13 =	ssub.f32 s12, s15  }
0x42: {  	s14 =	simm.s32 $0x0;
	[tilespmem:$0x1800] =	vst v9  }
0x43: {  	v11 =	vld [tilespmem:s14+$0x1000];
	s13 =	smul.f32 $-2.500000040e-02, s13;
	_ =	sdelay $0x1  }
0x44: {  	s12 =	sadd.f32 s13, s12;
	_ =	sdelay $0x1  }
0x45: {  	v10 =	vbroadcast v8, $0xF;
	v9 =	vmov s12  }
0x46: {  	vm1 =	vge.f32 v11, v9  }
0x47: {  	v62 =	vsub.f32 v11, v10;
	v11 =	vsel vm1, $0x1, v4  }
0x48: {  	(xrf0) =	vadd.scan.msk.s32 $0xffff, v11  }
0x49: {  	v12 =	vmul.f32 $1.442695020e+00, v62;
	_ =	sdelay $0x1  }
0x4a: {  	(erf) = vpow2.f32 v12;
	s12 =	simm.s32 $0x0  }
0x4b: {  	v11 =	vmov s12  }
0x4c: {  	v11 =	vadd.s32 $0xFFFFFFFF, v11  }
0x4d: {  	v11 =	vbroadcast v11, $0x0;
	v63, _, _ =	vpop (xrf0)  }
0x4e: {  	(v2sf) =	vpush v63, $0xF  }
0x4f: {  	v13 =	vld [tilespmem:s14+$0x800];
	v14 =	vadd.s32 v63, v11;
	_ =	sdelay $0x3  }
0x50: {  	v15 =	vpop (erf);
	v11 =	vimm.f32 $0.0e+00  }
0x51: {  	s14 =	simm.s32 $0x80;
	s13 =	simm.s32 $0x10;
	v11 =	vadd.f32 v15, v11;
	[tilespmem:v14+s28+$0x0] =	vst.idx.msk vm1, v13  }
.LBB2_4:
0x52: {  	p0 =	sne.s32 s14, $0x1FC0;
	v12 =	vld [tilespmem:s13+$0x1000];
	_ =	sdelay $0x4  }
0x53: {  	v13 =	vsub.f32 v12, v10;
	vm1 =	vge.f32 v12, v9  }
0x54: {  	v12 =	vsel vm1, $0x1, v4  }
0x55: {  	v13 =	vmul.f32 $1.442695020e+00, v13;
	(xrf0) =	vadd.scan.msk.s32 $0xffff, v12  }
0x56: {  	s15 =	spop (v2sf)  }
0x57: {  	(erf) = vpow2.f32 v13;
	s12 =	sadd.s32 s12, s15  }
0x58: {  	v12 =	vmov s12  }
0x59: {  	v12 =	vadd.s32 $0xFFFFFFFF, v12  }
0x5a: {  	v12 =	vbroadcast v12, $0x0  }
0x5b: {  	v13, _, _ =	vpop (xrf0)  }
0x5c: {  	v14 =	vld [tilespmem:s13+$0x800];
	v12 =	vadd.s32 v13, v12;
	(v2sf) =	vpush v13, $0xF;
	_ =	sdelay $0x1  }
.Ltmp1:
0x5d: {  	(pc) =	sbr.rel @p0 .LBB2_4-.Ltmp1, $4  }
0x5e: {  	_ = 	snop  }
0x5f: {  	v13 =	vpop (erf)  }
0x60: {  	v11 =	vadd.f32 v13, v11;
	[tilespmem:v12+s28+$0x0] =	vst.idx.msk vm1, v14  }
0x61: {  	s13 =	sshra.s32 s14, $0x2;
	s14 =	sadd.s32 $0x40, s14  }
0x62: {  	v12 =	vld [tilespmem:s13+$0x1000];
	_ =	sdelay $0x4  }
0x63: {  	v10 =	vsub.f32 v12, v10;
	_ =	sdelay $0x1  }
0x64: {  	v10 =	vmul.f32 $1.442695020e+00, v10;
	_ =	sdelay $0x1  }
0x65: {  	(erf) = vpow2.f32 v10;
	_ =	sdelay $0x2  }
0x66: {  	vm1 =	vge.f32 v12, v9  }
0x67: {  	v9 =	vsel vm1, $0x1, v4  }
0x68: {  	(xrf0) =	vadd.scan.msk.s32 $0xffff, v9;
	_ =	sdelay $0x3  }
0x69: {  	v9 =	vpop (erf)  }
0x6a: {  	v9 =	vadd.f32 v9, v11  }
0x6b: {  	v10, _, _ =	vpop (xrf0)  }
0x6c: {  	(v2sf) =	vpush v10, $0xF;
	(xrf2) =	vadd.scan.msk.f32 $0xffff, v9;
	_ =	sdelay $0x1  }
0x6d: {  	s14 =	spop (v2sf)  }
0x6e: {  	s12 =	sadd.s32 s12, s14  }
0x6f: {  	v9 =	vmov s12  }
0x70: {  	v9 =	vadd.s32 $0xFFFFFFFF, v9  }
0x71: {  	v9 =	vbroadcast v9, $0x0;
	_ =	sdelay $0x1  }
0x72: {  	v11 =	vld [tilespmem:s13+$0x800];
	v9 =	vadd.s32 v10, v9;
	_ =	sdelay $0x1  }
0x73: {  	v8 =	vadd.f32 $0.0e+00, v8;
	v10, _, _ =	vpop (xrf2)  }
0x74: {  	v10 =	vadd.f32 $0.0e+00, v10  }
0x75: {  	v8 =	vbroadcast v8, $0xF  }
0x76: {  	[tilespmem:v9+s28+$0x0] =	vst.idx.msk vm1, v11;
	v9 =	vbroadcast v10, $0xF  }
0x77: {  	[tilespmem:$0x6100] =	vst v8  }
0x78: {  	s15 =	rddreg [dreg:$0x7];
	s12 =	simm.s32 $0x0;
	s14 =	spop (v2sf);
	[tilespmem:$0x6180] =	vst v9  }
0x79: {  	[hbm4b:s15+s12] =	stream.linear.scatter [tilespmem:s29], [sflag:$0x2], $0x80, $0x38;
	[tilespmem:$0x6280] =	vst v63  }
0x7a: {  	_ =	swait.ge [sflag:s25], $0x80  }
0x7b: {  	[sflag:s25] =	ssyncset.done $0x0  }
0x7c: {  	s14 =	rddreg [dreg:$0x8];
	[sflag:s25] =	ssyncadd.s32 $0xFFFFFF80  }
0x7d: {  	[hbm4b:s14+s12] =	stream.linear.scatter [tilespmem:s30], [sflag:$0x2], $0x80, $0x38;
	[tilespmem:$0x6280] =	vst v63  }
0x7e: {  	_ =	swait.ge [sflag:s25], $0x80  }
0x7f: {  	[sflag:s25] =	ssyncset.done $0x0  }
0x80: {  	[sflag:s25] =	ssyncadd.s32 $0xFFFFFF80  }
0x81: {  	v8 =	vld [tilespmem:$0x1800];
	_ =	sdelay $0x4  }
0x82: {  	v8 =	vshll.u32 v8, $0x6  }
0x83: {  	v8 =	vor.u32 v0, v8  }
0x84: {  	v9 =	vld [tilespmem:$0x1810];
	v10 =	vshll.u32 v8, $0x1  }
0x85: {  	v11 =	vld [tilespmem:$0x1820];
	v10 =	vand.u32 $0xFFFFFFF0, v10  }
0x86: {  	v63 =	vld [tilespmem:$0x1830];
	v10 =	vor.u32 v2, v10  }
0x87: {  	v13 =	vperm.xlane v10, v5;
	_ =	sdelay $0x1  }
0x88: {  	v9 =	vshll.u32 v9, $0x6;
	v10 =	vperm.xlane v10, v7;
	v13 =	vadd.s32 v6, v13  }
0x89: {  	[tilespmem:$0x2080] =	vst v8;
	v8 =	vor.u32 v0, v9;
	v9 =	vshll.u32 v11, $0x6  }
0x8a: {  	[tilespmem:$0x2090] =	vst v8;
	v8 =	vor.u32 v0, v9;
	v9 =	vshll.u32 v63, $0x6;
	v10 =	vadd.s32 v6, v10  }
0x8b: {  	[tilespmem:$0x20A0] =	vst v8;
	v8 =	vor.u32 v0, v9  }
0x8c: {  	[tilespmem:$0x20B0] =	vst v8  }
0x8d: {  	[tilespmem:s31], [sflag:$0x1] =	stream.indirect_vreg.gather [hbm4b:s1+s12], $0x80, v13, vm0, $0xb8;
	[tilespmem:$0x6280] =	vst v63  }
0x8e: {  	_ = 	snop  }
0x8f: {  	[tilespmem:s0], [sflag:$0x1] =	stream.indirect_vreg.gather [hbm4b:s1+s12], $0x80, v10, vm0, $0xb8;
	[tilespmem:$0x6280] =	vst v63  }
0x90: {  	v8 =	vld [tilespmem:$0x2090];
	_ =	sdelay $0x4  }
0x91: {  	v9 =	vshll.u32 v8, $0x1  }
0x92: {  	v8 =	vand.u32 $0x7, v8;
	v9 =	vand.u32 $0xFFFFFFF0, v9  }
0x93: {  	v8 =	vor.u32 v8, v9  }
0x94: {  	v9 =	vperm.xlane v8, v5;
	_ =	sdelay $0x1  }
0x95: {  	v8 =	vperm.xlane v8, v7;
	v9 =	vadd.s32 v6, v9;
	_ =	sdelay $0x1  }
0x96: {  	v8 =	vadd.s32 v6, v8;
	_ =	sdelay $0x2  }
0x97: {  	[tilespmem:s3], [sflag:$0x1] =	stream.indirect_vreg.gather [hbm4b:s1+s12], $0x80, v9, vm0, $0xb8;
	[tilespmem:$0x6280] =	vst v63  }
0x98: {  	_ = 	snop  }
0x99: {  	[tilespmem:s4], [sflag:$0x1] =	stream.indirect_vreg.gather [hbm4b:s1+s12], $0x80, v8, vm0, $0xb8;
	[tilespmem:$0x6280] =	vst v63  }
0x9a: {  	v8 =	vld [tilespmem:$0x20A0];
	_ =	sdelay $0x4  }
0x9b: {  	v9 =	vshll.u32 v8, $0x1  }
0x9c: {  	v8 =	vand.u32 $0x7, v8;
	v9 =	vand.u32 $0xFFFFFFF0, v9  }
0x9d: {  	v8 =	vor.u32 v8, v9  }
0x9e: {  	v9 =	vperm.xlane v8, v5;
	_ =	sdelay $0x1  }
0x9f: {  	v8 =	vperm.xlane v8, v7;
	v9 =	vadd.s32 v6, v9;
	_ =	sdelay $0x1  }
0xa0: {  	v8 =	vadd.s32 v6, v8;
	_ =	sdelay $0x2  }
0xa1: {  	[tilespmem:s5], [sflag:$0x1] =	stream.indirect_vreg.gather [hbm4b:s1+s12], $0x80, v9, vm0, $0xb8;
	[tilespmem:$0x6280] =	vst v63  }
0xa2: {  	_ = 	snop  }
0xa3: {  	[tilespmem:s6], [sflag:$0x1] =	stream.indirect_vreg.gather [hbm4b:s1+s12], $0x80, v8, vm0, $0xb8;
	[tilespmem:$0x6280] =	vst v63  }
0xa4: {  	v8 =	vld [tilespmem:$0x20B0];
	_ =	sdelay $0x4  }
0xa5: {  	v9 =	vshll.u32 v8, $0x1  }
0xa6: {  	v8 =	vand.u32 $0x7, v8;
	v9 =	vand.u32 $0xFFFFFFF0, v9  }
0xa7: {  	v8 =	vor.u32 v8, v9  }
0xa8: {  	v9 =	vperm.xlane v8, v5;
	_ =	sdelay $0x1  }
0xa9: {  	v8 =	vperm.xlane v8, v7;
	v9 =	vadd.s32 v6, v9;
	_ =	sdelay $0x1  }
0xaa: {  	v8 =	vadd.s32 v6, v8;
	_ =	sdelay $0x2  }
0xab: {  	[tilespmem:s7], [sflag:$0x1] =	stream.indirect_vreg.gather [hbm4b:s1+s12], $0x80, v9, vm0, $0xb8;
	[tilespmem:$0x6280] =	vst v63  }
0xac: {  	_ = 	snop  }
0xad: {  	[tilespmem:s8], [sflag:$0x1] =	stream.indirect_vreg.gather [hbm4b:s1+s12], $0x80, v8, vm0, $0xb8;
	[tilespmem:$0x6280] =	vst v63  }
0xae: {  	_ =	swait.ge [sflag:s9], $0x4000  }
0xaf: {  	[sflag:s9] =	ssyncset.done $0x0  }
0xb0: {  	s15 =	rddreg [dreg:$0x9];
	[sflag:s9] =	ssyncadd.s32 $0xFFFFC000  }
0xb1: {  	[hbm4b:s15+s12] =	stream.linear.scatter [tilespmem:s31], [sflag:$0x2], $0x4000, $0x38;
	[tilespmem:$0x6280] =	vst v63  }
0xb2: {  	_ =	swait.ge [sflag:s25], $0x4000  }
0xb3: {  	[sflag:s25] =	ssyncset.done $0x0  }
0xb4: {  	[sflag:s25] =	ssyncadd.s32 $0xFFFFC000  }
0xb5: {  	v8 =	vld [tilespmem:$0x1800];
	_ =	sdelay $0x4  }
0xb6: {  	s14 =	rddreg [dreg:$0xa];
	[tilespmem:$0x6200] =	vst v8  }
0xb7: {  	[hbm4b:s14+s12] =	stream.linear.scatter [tilespmem:s10], [sflag:$0x2], $0x80, $0x38;
	[tilespmem:$0x6280] =	vst v63  }
0xb8: {  	_ =	swait.ge [sflag:s25], $0x80  }
0xb9: {  	[sflag:s25] =	ssyncset.done $0x0  }
0xba: {  	[sflag:s25] =	ssyncadd.s32 $0xFFFFFF80  }
0xbb: {  	v8 =	vld [tilespmem:$0x1810];
	_ =	sdelay $0x4  }
0xbc: {  	s15 =	rddreg [dreg:$0xd];
	[tilespmem:$0x6200] =	vst v8  }
0xbd: {  	[hbm4b:s15+s12] =	stream.linear.scatter [tilespmem:s10], [sflag:$0x2], $0x80, $0x38;
	[tilespmem:$0x6280] =	vst v63  }
0xbe: {  	_ =	swait.ge [sflag:s25], $0x80  }
0xbf: {  	[sflag:s25] =	ssyncset.done $0x0  }
0xc0: {  	[sflag:s25] =	ssyncadd.s32 $0xFFFFFF80  }
0xc1: {  	v8 =	vld [tilespmem:$0x1820];
	_ =	sdelay $0x4  }
0xc2: {  	s14 =	rddreg [dreg:$0xf];
	[tilespmem:$0x6200] =	vst v8  }
0xc3: {  	[hbm4b:s14+s12] =	stream.linear.scatter [tilespmem:s10], [sflag:$0x2], $0x80, $0x38;
	[tilespmem:$0x6280] =	vst v63  }
0xc4: {  	_ =	swait.ge [sflag:s25], $0x80  }
0xc5: {  	[sflag:s25] =	ssyncset.done $0x0  }
0xc6: {  	[sflag:s25] =	ssyncadd.s32 $0xFFFFFF80  }
0xc7: {  	v8 =	vld [tilespmem:$0x1830];
	_ =	sdelay $0x4  }
0xc8: {  	s15 =	rddreg [dreg:$0x10];
	[tilespmem:$0x6200] =	vst v8  }
0xc9: {  	[hbm4b:s15+s12] =	stream.linear.scatter [tilespmem:s10], [sflag:$0x2], $0x80, $0x38;
	[tilespmem:$0x6280] =	vst v63  }
0xca: {  	_ =	swait.ge [sflag:s25], $0x80  }
0xcb: {  	[sflag:s25] =	ssyncset.done $0x0  }
0xcc: {  	s14 =	rddreg [dreg:$0xb];
	[sflag:s25] =	ssyncadd.s32 $0xFFFFFF80  }
0xcd: {  	[tilespmem:s12], [sflag:$0x2] =	stream.strided.gather [hbm4b:s14+s23], $0x800, s24, s23, $0x38;
	[tilespmem:$0x6280] =	vst v63  }
0xce: {  	_ =	swait.ge [sflag:s25], $0x800  }
0xcf: {  	[sflag:s25] =	ssyncset.done $0x0  }
0xd0: {  	s15 =	rddreg [dreg:$0xc];
	[sflag:s25] =	ssyncadd.s32 $0xFFFFF800  }
0xd1: {  	[tilespmem:s26], [sflag:$0x2] =	stream.strided.gather [hbm4b:s15+s23], $0x800, s24, s23, $0x38;
	[tilespmem:$0x6280] =	vst v63  }
0xd2: {  	_ =	swait.ge [sflag:s25], $0x800  }
0xd3: {  	[sflag:s25] =	ssyncset.done $0x0  }
0xd4: {  	s13 =	simm.s32 $0x0;
	[sflag:s25] =	ssyncadd.s32 $0xFFFFF800  }
0xd5: {  	v10 =	vld [tilespmem:s13+$0x800];
	_ =	sdelay $0x7  }
0xd6: {  	v9 =	vimm.f32 $+Inf;
	v8 =	vimm.f32 $-Inf;
	s12 =	simm.s32 $0x10;
	s14 =	simm.s32 $0x80;
	v10 =	vld.idx.msk [tilespmem:v10+s2+$0x0], $0xffff  }
.LBB2_6:
0xd7: {  	p0 =	sne.s32 s14, $0x1FC0;
	v11 =	vld [tilespmem:s12+$0x800];
	_ =	sdelay $0x3  }
.Ltmp2:
0xd8: {  	(pc) =	sbr.rel @p0 .LBB2_6-.Ltmp2, $2  }
0xd9: {  	v8 =	vmax.f32 v8, v10;
	v9 =	vmin.f32 v9, v10;
	[tilespmem:s13+$0x1000] =	vst v10;
	s13 =	smov.u32 s12;
	_ =	sdelay $0x2  }
0xda: {  	s12 =	sshra.s32 s14, $0x2;
	s14 =	sadd.s32 $0x40, s14;
	v10 =	vld.idx.msk [tilespmem:v11+s2+$0x0], $0xffff  }
0xdb: {  	v11 =	vld [tilespmem:s12+$0x800];
	_ =	sdelay $0x6  }
0xdc: {  	[tilespmem:s13+$0x1000] =	vst v10  }
0xdd: {  	v11 =	vld.idx.msk [tilespmem:v11+s2+$0x0], $0xffff;
	_ =	sdelay $0x3  }
0xde: {  	v8 =	vmax.f32 v8, v10  }
0xdf: {  	v9 =	vmin.f32 v9, v10;
	v8 =	vmax.f32 v8, v11  }
0xe0: {  	v9 =	vmin.f32 v9, v11;
	(xrf0) =	vmax.scan.msk.f32 $0xffff, v8  }
0xe1: {  	(xrf0) =	vmin.scan.msk.f32 $0xffff, v9;
	_ =	sdelay $0x4  }
0xe2: {  	v8, _, _ =	vpop (xrf0)  }
0xe3: {  	(v2sf) =	vpush v8, $0xF;
	v9, _, _ =	vpop (xrf0)  }
0xe4: {  	(v2sf) =	vpush v9, $0xF;
	_ =	sdelay $0x7  }
0xe5: {  	[tilespmem:s12+$0x1000] =	vst v11  }
0xe6: {  	v10 =	vld [tilespmem:$0x810]  }
0xe7: {  	v11 =	vld [tilespmem:$0x820]  }
0xe8: {  	v12 =	vld [tilespmem:$0x830]  }
0xe9: {  	v9 =	vld [tilespmem:$0x800];
	_ =	sdelay $0x1  }
0xea: {  	[tilespmem:$0x1810] =	vst v10;
	s12 =	spop (v2sf)  }
0xeb: {  	[tilespmem:$0x1820] =	vst v11;
	s15 =	spop (v2sf)  }
0xec: {  	[tilespmem:$0x1830] =	vst v12;
	s13 =	ssub.f32 s12, s15  }
0xed: {  	s14 =	simm.s32 $0x0;
	[tilespmem:$0x1800] =	vst v9  }
0xee: {  	v11 =	vld [tilespmem:s14+$0x1000];
	s13 =	smul.f32 $-2.500000040e-02, s13;
	_ =	sdelay $0x1  }
0xef: {  	s12 =	sadd.f32 s13, s12;
	_ =	sdelay $0x1  }
0xf0: {  	v10 =	vbroadcast v8, $0xF;
	v9 =	vmov s12  }
0xf1: {  	vm1 =	vge.f32 v11, v9  }
0xf2: {  	v62 =	vsub.f32 v11, v10;
	v11 =	vsel vm1, $0x1, v4  }
0xf3: {  	(xrf0) =	vadd.scan.msk.s32 $0xffff, v11  }
0xf4: {  	v12 =	vmul.f32 $1.442695020e+00, v62;
	_ =	sdelay $0x1  }
0xf5: {  	(erf) = vpow2.f32 v12;
	s12 =	simm.s32 $0x0  }
0xf6: {  	v11 =	vmov s12  }
0xf7: {  	v11 =	vadd.s32 $0xFFFFFFFF, v11  }
0xf8: {  	v11 =	vbroadcast v11, $0x0;
	v63, _, _ =	vpop (xrf0)  }
0xf9: {  	(v2sf) =	vpush v63, $0xF  }
0xfa: {  	v13 =	vld [tilespmem:s14+$0x800];
	v14 =	vadd.s32 v63, v11;
	_ =	sdelay $0x3  }
0xfb: {  	v15 =	vpop (erf);
	v11 =	vimm.f32 $0.0e+00  }
0xfc: {  	s14 =	simm.s32 $0x80;
	s13 =	simm.s32 $0x10;
	v11 =	vadd.f32 v15, v11;
	[tilespmem:v14+s28+$0x0] =	vst.idx.msk vm1, v13  }
.LBB2_8:
0xfd: {  	p0 =	sne.s32 s14, $0x1FC0;
	v12 =	vld [tilespmem:s13+$0x1000];
	_ =	sdelay $0x4  }
0xfe: {  	v13 =	vsub.f32 v12, v10;
	vm1 =	vge.f32 v12, v9  }
0xff: {  	v12 =	vsel vm1, $0x1, v4  }
0x100: {  	v13 =	vmul.f32 $1.442695020e+00, v13;
	(xrf0) =	vadd.scan.msk.s32 $0xffff, v12  }
0x101: {  	s15 =	spop (v2sf)  }
0x102: {  	(erf) = vpow2.f32 v13;
	s12 =	sadd.s32 s12, s15  }
0x103: {  	v12 =	vmov s12  }
0x104: {  	v12 =	vadd.s32 $0xFFFFFFFF, v12  }
0x105: {  	v12 =	vbroadcast v12, $0x0  }
0x106: {  	v13, _, _ =	vpop (xrf0)  }
0x107: {  	v14 =	vld [tilespmem:s13+$0x800];
	v12 =	vadd.s32 v13, v12;
	(v2sf) =	vpush v13, $0xF;
	_ =	sdelay $0x1  }
.Ltmp3:
0x108: {  	(pc) =	sbr.rel @p0 .LBB2_8-.Ltmp3, $4  }
0x109: {  	_ = 	snop  }
0x10a: {  	v13 =	vpop (erf)  }
0x10b: {  	v11 =	vadd.f32 v13, v11;
	[tilespmem:v12+s28+$0x0] =	vst.idx.msk vm1, v14  }
0x10c: {  	s13 =	sshra.s32 s14, $0x2;
	s14 =	sadd.s32 $0x40, s14  }
0x10d: {  	v12 =	vld [tilespmem:s13+$0x1000];
	_ =	sdelay $0x4  }
0x10e: {  	v10 =	vsub.f32 v12, v10;
	_ =	sdelay $0x1  }
0x10f: {  	v10 =	vmul.f32 $1.442695020e+00, v10;
	_ =	sdelay $0x1  }
0x110: {  	(erf) = vpow2.f32 v10;
	_ =	sdelay $0x2  }
0x111: {  	vm1 =	vge.f32 v12, v9  }
0x112: {  	v9 =	vsel vm1, $0x1, v4  }
0x113: {  	(xrf0) =	vadd.scan.msk.s32 $0xffff, v9;
	_ =	sdelay $0x3  }
0x114: {  	v49 =	vpop (erf)  }
0x115: {  	v9 =	vadd.f32 v49, v11  }
0x116: {  	v50, _, _ =	vpop (xrf0)  }
0x117: {  	(v2sf) =	vpush v50, $0xF;
	(xrf2) =	vadd.scan.msk.f32 $0xffff, v9;
	_ =	sdelay $0x1  }
0x118: {  	s14 =	spop (v2sf)  }
0x119: {  	s12 =	sadd.s32 s12, s14  }
0x11a: {  	v51 =	vmov s12  }
0x11b: {  	v9 =	vadd.s32 $0xFFFFFFFF, v51  }
0x11c: {  	v9 =	vbroadcast v9, $0x0;
	_ =	sdelay $0x1  }
0x11d: {  	v52 =	vld [tilespmem:s13+$0x800];
	v9 =	vadd.s32 v50, v9;
	_ =	sdelay $0x1  }
0x11e: {  	v8 =	vadd.f32 $0.0e+00, v8;
	v53, _, _ =	vpop (xrf2)  }
0x11f: {  	v10 =	vadd.f32 $0.0e+00, v53  }
0x120: {  	v8 =	vbroadcast v8, $0xF  }
0x121: {  	[tilespmem:v9+s28+$0x0] =	vst.idx.msk vm1, v52;
	v54 =	vbroadcast v10, $0xF  }
0x122: {  	[tilespmem:$0x6100] =	vst v8  }
0x123: {  	s15 =	spop (v2sf);
	[tilespmem:$0x6180] =	vst v54  }
0x124: {  	[hbm4b:s16+s2] =	stream.linear.scatter [tilespmem:s29], [sflag:$0x2], $0x80, $0x38;
	[tilespmem:$0x6280] =	vst v63  }
0x125: {  	_ =	swait.ge [sflag:s25], $0x80  }
0x126: {  	[sflag:s25] =	ssyncset.done $0x0  }
0x127: {  	[sflag:s25] =	ssyncadd.s32 $0xFFFFFF80  }
0x128: {  	[hbm4b:s17+s2] =	stream.linear.scatter [tilespmem:s30], [sflag:$0x2], $0x80, $0x38;
	[tilespmem:$0x6280] =	vst v63  }
0x129: {  	_ =	swait.ge [sflag:s25], $0x80  }
0x12a: {  	[sflag:s25] =	ssyncset.done $0x0  }
0x12b: {  	[sflag:s25] =	ssyncadd.s32 $0xFFFFFF80  }
0x12c: {  	v8 =	vld [tilespmem:$0x1800];
	_ =	sdelay $0x4  }
0x12d: {  	v8 =	vshll.u32 v8, $0x6  }
0x12e: {  	v8 =	vor.u32 v1, v8  }
0x12f: {  	v55 =	vld [tilespmem:$0x1810];
	v56 =	vshll.u32 v8, $0x1  }
0x130: {  	v57 =	vld [tilespmem:$0x1820];
	v10 =	vand.u32 $0xFFFFFFF0, v56  }
0x131: {  	v58 =	vld [tilespmem:$0x1830];
	v10 =	vor.u32 v3, v10  }
0x132: {  	v13 =	vperm.xlane v10, v5;
	_ =	sdelay $0x1  }
0x133: {  	v9 =	vshll.u32 v55, $0x6;
	v10 =	vperm.xlane v10, v7;
	v13 =	vadd.s32 v6, v13  }
0x134: {  	v59 =	vshll.u32 v57, $0x6;
	[tilespmem:$0x2080] =	vst v8;
	v8 =	vor.u32 v1, v9  }
0x135: {  	v60 =	vshll.u32 v58, $0x6;
	[tilespmem:$0x2090] =	vst v8;
	v8 =	vor.u32 v1, v59;
	v10 =	vadd.s32 v6, v10  }
0x136: {  	[tilespmem:$0x20A0] =	vst v8;
	v8 =	vor.u32 v1, v60  }
0x137: {  	[tilespmem:$0x20B0] =	vst v8  }
0x138: {  	[tilespmem:s31], [sflag:$0x1] =	stream.indirect_vreg.gather [hbm4b:s1+s2], $0x80, v13, vm0, $0xb8;
	[tilespmem:$0x6280] =	vst v63  }
0x139: {  	_ = 	snop  }
0x13a: {  	[tilespmem:s0], [sflag:$0x1] =	stream.indirect_vreg.gather [hbm4b:s1+s2], $0x80, v10, vm0, $0xb8;
	[tilespmem:$0x6280] =	vst v63  }
0x13b: {  	v8 =	vld [tilespmem:$0x2090];
	_ =	sdelay $0x4  }
0x13c: {  	v61 =	vshll.u32 v8, $0x1  }
0x13d: {  	v8 =	vand.u32 $0x7, v8;
	v9 =	vand.u32 $0xFFFFFFF0, v61  }
0x13e: {  	v8 =	vor.u32 v8, v9  }
0x13f: {  	v9 =	vperm.xlane v8, v5;
	_ =	sdelay $0x1  }
0x140: {  	v8 =	vperm.xlane v8, v7;
	v9 =	vadd.s32 v6, v9;
	_ =	sdelay $0x1  }
0x141: {  	v8 =	vadd.s32 v6, v8;
	_ =	sdelay $0x2  }
0x142: {  	[tilespmem:s3], [sflag:$0x1] =	stream.indirect_vreg.gather [hbm4b:s1+s2], $0x80, v9, vm0, $0xb8;
	[tilespmem:$0x6280] =	vst v63  }
0x143: {  	_ = 	snop  }
0x144: {  	[tilespmem:s4], [sflag:$0x1] =	stream.indirect_vreg.gather [hbm4b:s1+s2], $0x80, v8, vm0, $0xb8;
	[tilespmem:$0x6280] =	vst v63  }
0x145: {  	v8 =	vld [tilespmem:$0x20A0];
	_ =	sdelay $0x4  }
0x146: {  	v62 =	vshll.u32 v8, $0x1  }
0x147: {  	v8 =	vand.u32 $0x7, v8;
	v9 =	vand.u32 $0xFFFFFFF0, v62  }
0x148: {  	v8 =	vor.u32 v8, v9  }
0x149: {  	v9 =	vperm.xlane v8, v5;
	_ =	sdelay $0x1  }
0x14a: {  	v8 =	vperm.xlane v8, v7;
	v9 =	vadd.s32 v6, v9;
	_ =	sdelay $0x1  }
0x14b: {  	v8 =	vadd.s32 v6, v8;
	_ =	sdelay $0x2  }
0x14c: {  	[tilespmem:s5], [sflag:$0x1] =	stream.indirect_vreg.gather [hbm4b:s1+s2], $0x80, v9, vm0, $0xb8;
	[tilespmem:$0x6280] =	vst v63  }
0x14d: {  	_ = 	snop  }
0x14e: {  	[tilespmem:s6], [sflag:$0x1] =	stream.indirect_vreg.gather [hbm4b:s1+s2], $0x80, v8, vm0, $0xb8;
	[tilespmem:$0x6280] =	vst v63  }
0x14f: {  	v8 =	vld [tilespmem:$0x20B0];
	_ =	sdelay $0x4  }
0x150: {  	v63 =	vshll.u32 v8, $0x1  }
0x151: {  	v8 =	vand.u32 $0x7, v8;
	v9 =	vand.u32 $0xFFFFFFF0, v63  }
0x152: {  	v8 =	vor.u32 v8, v9  }
0x153: {  	v9 =	vperm.xlane v8, v5;
	_ =	sdelay $0x1  }
0x154: {  	v8 =	vperm.xlane v8, v7;
	v9 =	vadd.s32 v6, v9;
	_ =	sdelay $0x1  }
0x155: {  	v8 =	vadd.s32 v6, v8;
	_ =	sdelay $0x2  }
0x156: {  	[tilespmem:s7], [sflag:$0x1] =	stream.indirect_vreg.gather [hbm4b:s1+s2], $0x80, v9, vm0, $0xb8;
	[tilespmem:$0x6280] =	vst v63  }
0x157: {  	_ = 	snop  }
0x158: {  	[tilespmem:s8], [sflag:$0x1] =	stream.indirect_vreg.gather [hbm4b:s1+s2], $0x80, v8, vm0, $0xb8;
	[tilespmem:$0x6280] =	vst v63  }
0x159: {  	_ =	swait.ge [sflag:s9], $0x4000  }
0x15a: {  	[sflag:s9] =	ssyncset.done $0x0  }
0x15b: {  	s12 =	rddreg [dreg:$0xe];
	[sflag:s9] =	ssyncadd.s32 $0xFFFFC000  }
0x15c: {  	[hbm4b:s12+s2] =	stream.linear.scatter [tilespmem:s31], [sflag:$0x2], $0x4000, $0x38;
	[tilespmem:$0x6280] =	vst v63  }
0x15d: {  	_ =	swait.ge [sflag:s25], $0x4000  }
0x15e: {  	[sflag:s25] =	ssyncset.done $0x0  }
0x15f: {  	[sflag:s25] =	ssyncadd.s32 $0xFFFFC000  }
0x160: {  	v8 =	vld [tilespmem:$0x1800];
	_ =	sdelay $0x4  }
0x161: {  	[tilespmem:$0x6200] =	vst v8  }
0x162: {  	[hbm4b:s18+s2] =	stream.linear.scatter [tilespmem:s10], [sflag:$0x2], $0x80, $0x38;
	[tilespmem:$0x6280] =	vst v63  }
0x163: {  	_ =	swait.ge [sflag:s25], $0x80  }
0x164: {  	[sflag:s25] =	ssyncset.done $0x0  }
0x165: {  	[sflag:s25] =	ssyncadd.s32 $0xFFFFFF80  }
0x166: {  	v8 =	vld [tilespmem:$0x1810];
	_ =	sdelay $0x4  }
0x167: {  	[tilespmem:$0x6200] =	vst v8  }
0x168: {  	[hbm4b:s19+s2] =	stream.linear.scatter [tilespmem:s10], [sflag:$0x2], $0x80, $0x38;
	[tilespmem:$0x6280] =	vst v63  }
0x169: {  	_ =	swait.ge [sflag:s25], $0x80  }
0x16a: {  	[sflag:s25] =	ssyncset.done $0x0  }
0x16b: {  	[sflag:s25] =	ssyncadd.s32 $0xFFFFFF80  }
0x16c: {  	v8 =	vld [tilespmem:$0x1820];
	_ =	sdelay $0x4  }
0x16d: {  	[tilespmem:$0x6200] =	vst v8  }
0x16e: {  	[hbm4b:s20+s2] =	stream.linear.scatter [tilespmem:s10], [sflag:$0x2], $0x80, $0x38;
	[tilespmem:$0x6280] =	vst v63  }
0x16f: {  	_ =	swait.ge [sflag:s25], $0x80  }
0x170: {  	[sflag:s25] =	ssyncset.done $0x0  }
0x171: {  	[sflag:s25] =	ssyncadd.s32 $0xFFFFFF80  }
0x172: {  	v8 =	vld [tilespmem:$0x1830];
	_ =	sdelay $0x2  }
0x173: {  	s11 =	sadd.s32 $0x1, s11  }
0x174: {  	p0 =	sne.s32 s11, s22  }
.Ltmp4:
0x175: {  	[tilespmem:$0x6200] =	vst v8;
	(pc) =	sbr.rel @p0 .LBB2_1-.Ltmp4, $4  }
0x176: {  	[hbm4b:s21+s2] =	stream.linear.scatter [tilespmem:s10], [sflag:$0x2], $0x80, $0x38;
	[tilespmem:$0x6280] =	vst v63  }
0x177: {  	_ =	swait.ge [sflag:s25], $0x80  }
0x178: {  	[sflag:s25] =	ssyncset.done $0x0  }
0x179: {  	[sflag:s25] =	ssyncadd.s32 $0xFFFFFF80  }
0x17a: {  	_ =	sfence.sel $0x180000  }
0x17b: {  	[bflag:$0x0] =	sbarrier.arrive $0xFFFF  }
0x17c: {  	_ =	strace $0x90000047  }
0x17d: {  	s0 =	stileid.u32;
	[bflag:$0x2] =	sbarrier.arrive $0xFFFF  }
0x17e: {  	p0 =	sne.s32 s0, $0x0;
	s0 =	rddreg [dreg:$0x4]  }
0x17f: {  	s0 =	sadd.s32 @!p0 $0x100000, s0  }
0x180: {  	[sflag:s0] =	ssyncadd.tile.s32 @!p0 $0x1;
	_ =	shalt  }
.Lfunc_end2:
_tile_overlayer_lowered:
.L_overlay_start_2:
0x181: {  	(tag) =	ssettag $0x2  }
0x182: {  	s0 =	rddreg [dreg:$0x0];
	s2 =	stileid.u32  }
0x183: {  	s1 =	rddreg [dreg:$0x1];
	p0 =	sne.s32 s2, $0x0  }
0x184: {  	s3 =	rddreg [dreg:$0x2];
	[bflag:$0x3] =	sbarrier.arrive $0xFFFF;
	s2 =	simm.s32 @!p0 $0x1C02  }
0x185: {  	[timem:s3], [sflag:s2] =	dma.local @!p0 [hbm:s0], s1  }
0x186: {  	s0 =	simm.s32 @!p0 $0x2  }
0x187: {  	_ =	swait.ge @!p0 [sflag:s0], s1  }
0x188: {  	s1 =	ssub.s32 @!p0 $0x0, s1;
	[sflag:s0] =	ssyncset.done @!p0 $0x0  }
0x189: {  	[sflag:s0] =	ssyncadd.s32 @!p0 s1  }
0x18a: {  	[bflag:$0x3] =	sbarrier.arrive $0xFFFF  }
0x18b: {  	_ =	shalt  }

</sc_bundles>
